<compile_context>
chip_gen: v7x
topology: tpu7x:2x2x1
jax: 0.10.2.dev20260603
libtpu: 0.0.44.dev20260713+nightly
codegen_flags: <defaults>
</compile_context>

<pallas_src>
import jax
import jax.numpy as jnp
from jax import lax
from jax.experimental import pallas as pl
from jax.experimental.pallas import tpu as pltpu
from jax.experimental.pallas import tpu_sc as plsc

T, N, E, D, H = 3, 10000, 320000, 128, 8
DH = D // H
HT = 8
HD = D // HT
WROW = D + 16
NC, NS = 2, 16
NW = NC * NS
EPT = E // NW
C = 40
NCH = EPT // C
RPS = N // NS
ZR = 125
RB = 1000



def _pre_body(x_ref, wcat_ref, asrc_ref, adst_ref, dtab_ref, as_ref):
    x = x_ref[0]
    hh = jnp.dot(x, wcat_ref[...], preferred_element_type=jnp.float32)
    dtab_ref[0, :, :D] = hh
    dtab_ref[0, :, D:] = jnp.dot(hh, adst_ref[...],
                                 preferred_element_type=jnp.float32)
    as_ref[0] = jnp.dot(hh, asrc_ref[...], preferred_element_type=jnp.float32)


def _tc_pre(features, Wcat, Asrc16, Adst16):
    return pl.pallas_call(
        _pre_body,
        grid=(T, N // RB),
        in_specs=[
            pl.BlockSpec((1, RB, D), lambda t, i: (t, i, 0)),
            pl.BlockSpec((D, D), lambda t, i: (0, 0)),
            pl.BlockSpec((D, 16), lambda t, i: (0, 0)),
            pl.BlockSpec((D, 16), lambda t, i: (0, 0)),
        ],
        out_specs=[
            pl.BlockSpec((1, RB, WROW), lambda t, i: (t, i, 0)),
            pl.BlockSpec((1, RB, 16), lambda t, i: (t, i, 0)),
        ],
        out_shape=[
            jax.ShapeDtypeStruct((T, N, WROW), jnp.float32),
            jax.ShapeDtypeStruct((T, N, 16), jnp.float32),
        ],
    )(features, Wcat, Asrc16, Adst16)



def _bcast_lane(vec, lane):
    idx = jnp.full((16, 1), lane, dtype=jnp.int32)
    dn = lax.GatherDimensionNumbers(
        offset_dims=(), collapsed_slice_dims=(0,), start_index_map=(0,))
    return lax.gather(vec, idx, dn, (1,),
                      mode=lax.GatherScatterMode.PROMISE_IN_BOUNDS)


_GROUPS = ((0, 0), (16, 0), (24, 8))


def _sc_body(dtab, stab, ei_h, ev_h, zer_h, out,
             src_g0, dst_l0, ev_l0, src_s0, drows0, srows0, orows0,
             src_g1, dst_l1, ev_l1, src_s1, drows1, srows1, orows1, acc,
             sem_la0, sem_la1, sem_gd0, sem_gd1, sem_gs0, sem_gs1,
             sem_sc0, sem_sc1):
    cid = lax.axis_index("c")
    sid = lax.axis_index("s")
    wid = sid * NC + cid
    src_g = (src_g0, src_g1)
    dst_l = (dst_l0, dst_l1)
    ev_l = (ev_l0, ev_l1)
    src_s = (src_s0, src_s1)
    drows = (drows0, drows1)
    srows = (srows0, srows1)
    orows = (orows0, orows1)
    sem_la = (sem_la0, sem_la1)
    sem_gd = (sem_gd0, sem_gd1)
    sem_gs = (sem_gs0, sem_gs1)
    sem_sc = (sem_sc0, sem_sc1)

    def zero_acc():
        for j in range(RPS // ZR):
            pltpu.sync_copy(zer_h, acc.at[pl.ds(sid * RPS + j * ZR, ZR)])

    ebase = wid * EPT

    def issue_lists(t, j, b):
        off = ebase + j * C
        pltpu.async_copy(ei_h.at[t, 0, pl.ds(off, C)], src_g[b], sem_la[b])
        pltpu.async_copy(ei_h.at[t, 1, pl.ds(off, C)], dst_l[b], sem_la[b])
        pltpu.async_copy(ev_h.at[t, pl.ds(off, C)], ev_l[b], sem_la[b])

    def wait_lists(b):
        pltpu.make_async_copy(ei_h.at[0, 0, pl.ds(0, C)], src_g[b],
                              sem_la[b]).wait()
        pltpu.make_async_copy(ei_h.at[0, 1, pl.ds(0, C)], dst_l[b],
                              sem_la[b]).wait()
        pltpu.make_async_copy(ev_h.at[0, pl.ds(0, C)], ev_l[b],
                              sem_la[b]).wait()

    def issue_gathers(t, b):
        pltpu.async_copy(dtab.at[t, pl.ds(0, C)], drows[b], sem_gd[b])
        pltpu.async_copy(stab.at[t, pl.ds(0, C)], srows[b], sem_gs[b])

    def wait_gathers(b):
        pltpu.make_async_copy(dtab.at[0, pl.ds(0, C)], drows[b],
                              sem_gd[b]).wait()
        pltpu.make_async_copy(stab.at[0, pl.ds(0, C)], srows[b],
                              sem_gs[b]).wait()

    def issue_scatter(b):
        pltpu.async_copy(orows[b], acc.at[pl.ds(0, C)], sem_sc[b])

    def wait_scatter(b):
        pltpu.make_async_copy(orows[b], acc.at[pl.ds(0, C)], sem_sc[b]).wait()

    def compute(b):
        for off, _ in _GROUPS:
            src_s[b][pl.ds(off, 16)] = src_g[b][pl.ds(off, 16)]
        if True:
            return
        for off, l0 in _GROUPS:
            evv = ev_l[b][pl.ds(off, 16)]
            for l in range(l0, 16):
                e = off + l
                evb = _bcast_lane(evv, l)
                sr = srows[b][e, :]
                ad = drows[b][e, D:WROW]
                lg = evb * (sr + ad)
                eev = jnp.exp(jnp.where(lg > 0.0, lg, lg * 0.2))
                for h in range(H):
                    seg = drows[b][e, pl.ds(h * DH, DH)]
                    orows[b][e, pl.ds(h * DH, DH)] = seg * _bcast_lane(eev, h)
                orows[b][e, D:WROW] = eev

    def tstep(t, carry):
        zero_acc()
        issue_lists(t, 0, 0)
        issue_lists(t, 1, 1)
        wait_lists(0)
        issue_gathers(t, 0)

        plsc.subcore_barrier()

        def dstep(j2, carry2):
            for b in (0, 1):
                j = 2 * j2 + b
                nb = 1 - b

                @pl.when(jnp.logical_or(b == 0, j2 < NCH // 2 - 1))
                def _():
                    wait_lists(nb)
                    issue_gathers(t, nb)

                wait_gathers(b)

                @pl.when(j2 >= 1)
                def _():
                    wait_scatter(b)
                compute(b)
                issue_scatter(b)

                @pl.when(j2 < NCH // 2 - 1)
                def _():
                    issue_lists(t, j + 2, b)
            return carry2

        lax.fori_loop(0, NCH // 2, dstep, 0)

        wait_scatter(0)
        wait_scatter(1)
        plsc.subcore_barrier()
        pltpu.sync_copy(acc.at[pl.ds(sid * RPS, RPS)],
                        out.at[t, cid, pl.ds(sid * RPS, RPS)])
        return carry

    lax.fori_loop(0, T, tstep, 0)


_sc_edge = pl.kernel(
    _sc_body,
    out_type=jax.ShapeDtypeStruct((T, NC, N, WROW), jnp.float32),
    mesh=plsc.VectorSubcoreMesh(core_axis_name="c", subcore_axis_name="s"),
    scratch_types=[
        pltpu.VMEM((C,), jnp.int32),
        pltpu.VMEM((C,), jnp.int32),
        pltpu.VMEM((C,), jnp.float32),
        pltpu.VMEM((C,), jnp.int32),
        pltpu.VMEM((C, WROW), jnp.float32),
        pltpu.VMEM((C, 16), jnp.float32),
        pltpu.VMEM((C, WROW), jnp.float32),
    ] * 2 + [
        pltpu.VMEM_SHARED((N, WROW), jnp.float32),
    ] + [pltpu.SemaphoreType.DMA] * 8,
    compiler_params=pltpu.CompilerParams(use_tc_tiling_on_sc=False),
)



def _post_body(p3, wq, wk, wv, wp, bsum, bwide, out_ref):
    ti = []
    for t in range(T):
        pt = p3[t, 0] + p3[t, 1]
        hp = pt[:, :D]
        rs = pt[:, D:D + H]
        rsw = jnp.dot(rs, bwide[...], preferred_element_type=jnp.float32)
        sl = hp / rsw
        s = jnp.where(sl > 0.0, sl, jnp.exp(sl) - 1.0)
        ti.append(s + wp[t])
    q = [jnp.dot(ti[t], wq[...], preferred_element_type=jnp.float32)
         for t in range(T)]
    k = [jnp.dot(ti[t], wk[...], preferred_element_type=jnp.float32)
         for t in range(T)]
    v = [jnp.dot(ti[t], wv[...], preferred_element_type=jnp.float32)
         for t in range(T)]

    def bs(xy):
        return jnp.dot(xy, bsum[...], preferred_element_type=jnp.float32) * 0.25

    def wd(p):
        return jnp.dot(p, bwide[...], preferred_element_type=jnp.float32)

    out0 = v[0]
    s10 = bs(q[1] * k[0])
    s11 = bs(q[1] * k[1])
    m1 = jnp.maximum(s10, s11)
    e10 = jnp.exp(s10 - m1)
    e11 = jnp.exp(s11 - m1)
    d1 = e10 + e11
    out1 = wd(e10 / d1) * v[0] + wd(e11 / d1) * v[1]
    s20 = bs(q[2] * k[0])
    s21 = bs(q[2] * k[1])
    s22 = bs(q[2] * k[2])
    m2 = jnp.maximum(jnp.maximum(s20, s21), s22)
    e20 = jnp.exp(s20 - m2)
    e21 = jnp.exp(s21 - m2)
    e22 = jnp.exp(s22 - m2)
    d2 = e20 + e21 + e22
    out2 = wd(e20 / d2) * v[0] + wd(e21 / d2) * v[1] + wd(e22 / d2) * v[2]
    outs = (out0, out1, out2)
    for t in range(T):
        out_ref[:, t, :] = outs[t] + ti[t]


def _tc_post(p3, Wq, Wk, Wv, Wp, bsum, bwide):
    def full(shape):
        return pl.BlockSpec(shape, lambda i: tuple(0 for _ in shape))
    return pl.pallas_call(
        _post_body,
        grid=(N // RB,),
        in_specs=[
            pl.BlockSpec((T, NC, RB, WROW), lambda i: (0, 0, i, 0)),
            full((D, D)), full((D, D)), full((D, D)),
            full((T, D)), full((D, HT)), full((HT, D)),
        ],
        out_specs=pl.BlockSpec((RB, T, D), lambda i: (i, 0, 0)),
        out_shape=jax.ShapeDtypeStruct((N, T, D), jnp.float32),
    )(p3, Wq, Wk, Wv, Wp, bsum, bwide)



def kernel(features, edge_index, edge_vals, W, a, Wq, Wk, Wv, Wp):
    f32 = jnp.float32
    Wcat = jnp.transpose(W, (1, 0, 2)).reshape(D, D)
    eye = jnp.eye(H, dtype=f32)
    a_src = a[:, 0, :DH]
    a_dst = a[:, 0, DH:]
    Asrc = (eye[:, None, :] * a_src[:, :, None]).reshape(D, H)
    Adst = (eye[:, None, :] * a_dst[:, :, None]).reshape(D, H)
    pad = jnp.zeros((D, 8), f32)
    Asrc16 = jnp.concatenate([Asrc, pad], axis=1)
    Adst16 = jnp.concatenate([Adst, pad], axis=1)

    dtab, as16 = _tc_pre(features, Wcat, Asrc16, Adst16)

    zer = jnp.zeros((ZR, WROW), f32)
    p3 = _sc_edge(dtab, as16, edge_index, edge_vals, zer)

    bsum = jnp.repeat(eye, HD, axis=0)
    bwide = bsum.T
    return _tc_post(p3, Wq, Wk, Wv, Wp, bsum, bwide)

# --- scband reference (transcript-rebuilt; emitter-appended) ---
"""Pipeline reference for scband-dy-transformer-87342454931917 (READ-ONLY COPY).

The authoritative reference and input builder live on the scoring server;
editing this copy changes nothing except your own understanding.
"""

import jax, jax.numpy as jnp
import numpy as np

T = 3; N = 10000; E = 320000; D = 128; H = 8; HT = 8

def _glorot(k, shape):
    lim = np.sqrt(6.0 / (shape[-2] + shape[-1]))
    return jax.random.uniform(k, shape, dtype=jnp.float32, minval=-lim, maxval=lim)

def setup_inputs(seed: int = 0):
    key = jax.random.key(seed)
    ks = jax.random.split(key, 9)
    dh = D // H
    return {
        "features": jax.random.normal(ks[0], (T, N, D), dtype=jnp.float32),
        "edge_index": jax.random.randint(ks[1], (T, 2, E), 0, N, dtype=jnp.int32),
        "edge_vals": jax.random.uniform(ks[2], (T, E), dtype=jnp.float32),
        "W": _glorot(ks[3], (H, D, dh)),
        "a": _glorot(ks[4], (H, 1, 2 * dh)),
        "Wq": _glorot(ks[5], (D, D)),
        "Wk": _glorot(ks[6], (D, D)),
        "Wv": _glorot(ks[7], (D, D)),
        "Wp": _glorot(ks[8], (T, D)),
    }

def _forward(features, edge_index, edge_vals, W, a, Wq, Wk, Wv, Wp):
    Tn, Nn, Dn = features.shape
    Hh = W.shape[0]

    def struct_layer(x, eidx, evals):
        src = eidx[0]
        dst = eidx[1]
        outs = []
        for h in range(Hh):
            hh = x @ W[h]
            e_h = jnp.concatenate([hh[src], hh[dst]], axis=1)
            logits = evals * (e_h @ a[h][0])
            ee = jnp.exp(jax.nn.leaky_relu(logits, negative_slope=0.2))
            rowsum = jnp.zeros((Nn,), dtype=x.dtype).at[src].add(ee)
            hp = jnp.zeros((Nn, hh.shape[1]), dtype=x.dtype).at[src].add(ee[:, None] * hh[dst])
            outs.append(hp / rowsum[:, None])
        return jax.nn.elu(jnp.concatenate(outs, axis=1))

    s = jnp.stack([struct_layer(features[t], edge_index[t], edge_vals[t]) for t in range(Tn)])
    x = jnp.transpose(s, (1, 0, 2))
    ti = x + Wp[jnp.arange(Tn)][None, :, :]
    q = jnp.tensordot(ti, Wq, axes=([2], [0]))
    k = jnp.tensordot(ti, Wk, axes=([2], [0]))
    v = jnp.tensordot(ti, Wv, axes=([2], [0]))
    q_ = jnp.concatenate(jnp.split(q, HT, axis=2), axis=0)
    k_ = jnp.concatenate(jnp.split(k, HT, axis=2), axis=0)
    v_ = jnp.concatenate(jnp.split(v, HT, axis=2), axis=0)
    att = jnp.matmul(q_, jnp.transpose(k_, (0, 2, 1))) / (k_.shape[-1] ** 0.5)
    mask = jnp.tril(jnp.ones((Tn, Tn), dtype=att.dtype))
    neg = (-2.0 ** 32 + 1) * jnp.ones_like(att)
    att = jnp.where(mask[None, :, :] == 0, neg, att)
    att = jax.nn.softmax(att, axis=-1)
    out = jnp.matmul(att, v_)
    out = jnp.concatenate(jnp.split(out, HT, axis=0), axis=2)
    out = out + ti
    return out

def reference(features, edge_index, edge_vals, W, a, Wq, Wk, Wv, Wp):
    return _forward(features, edge_index, edge_vals, W, a, Wq, Wk, Wv, Wp)

if __name__ == "__main__":
    import jax
    _d = setup_inputs()
    print(jax.jit(kernel)(*tuple(_d.values())))

</pallas_src>

<mosaic_0001>
#map = affine_map<(d0, d1) -> (0, 0, 0)>
#map1 = affine_map<(d0, d1) -> (0, 0)>
#map2 = affine_map<(d0, d1) -> (0, 0, 0, 0)>
module attributes {stable_mosaic.version = 14 : i64} {
  func.func @_sc_body(%arg0: i32, %arg1: i32, %arg2: memref<3x10000x144xf32, #tpu.memory_space<hbm>>, %arg3: memref<3x10000x16xf32, #tpu.memory_space<hbm>>, %arg4: memref<3x2x320000xi32, #tpu.memory_space<hbm>>, %arg5: memref<3x320000xf32, #tpu.memory_space<hbm>>, %arg6: memref<125x144xf32, #tpu.memory_space<hbm>>, %arg7: memref<3x2x10000x144xf32, #tpu.memory_space<hbm>>, %arg8: memref<40xi32, #tpu.memory_space<vmem>>, %arg9: memref<40xi32, #tpu.memory_space<vmem>>, %arg10: memref<40xf32, #tpu.memory_space<vmem>>, %arg11: memref<40xi32, #tpu.memory_space<vmem>>, %arg12: memref<40x144xf32, #tpu.memory_space<vmem>>, %arg13: memref<40x16xf32, #tpu.memory_space<vmem>>, %arg14: memref<40x144xf32, #tpu.memory_space<vmem>>, %arg15: memref<40xi32, #tpu.memory_space<vmem>>, %arg16: memref<40xi32, #tpu.memory_space<vmem>>, %arg17: memref<40xf32, #tpu.memory_space<vmem>>, %arg18: memref<40xi32, #tpu.memory_space<vmem>>, %arg19: memref<40x144xf32, #tpu.memory_space<vmem>>, %arg20: memref<40x16xf32, #tpu.memory_space<vmem>>, %arg21: memref<40x144xf32, #tpu.memory_space<vmem>>, %arg22: memref<10000x144xf32, #tpu.memory_space<vmem_shared>>, %arg23: memref<!tpu.dma_semaphore, #tpu.memory_space<semaphore_mem>>, %arg24: memref<!tpu.dma_semaphore, #tpu.memory_space<semaphore_mem>>, %arg25: memref<!tpu.dma_semaphore, #tpu.memory_space<semaphore_mem>>, %arg26: memref<!tpu.dma_semaphore, #tpu.memory_space<semaphore_mem>>, %arg27: memref<!tpu.dma_semaphore, #tpu.memory_space<semaphore_mem>>, %arg28: memref<!tpu.dma_semaphore, #tpu.memory_space<semaphore_mem>>, %arg29: memref<!tpu.dma_semaphore, #tpu.memory_space<semaphore_mem>>, %arg30: memref<!tpu.dma_semaphore, #tpu.memory_space<semaphore_mem>>) attributes {dimension_semantics = [#tpu.dimension_semantics<core_parallel>, #tpu.dimension_semantics<subcore_parallel>], iteration_bounds = array<i64: 2, 16>, scalar_prefetch = 0 : i64, scratch_operands = 23 : i64, tpu.core_type = #tpu.core_type<sc_vector_subcore>, window_params = [{transform_indices = #map}, {transform_indices = #map}, {transform_indices = #map}, {transform_indices = #map1}, {transform_indices = #map1}, {transform_indices = #map2}]} {
    %mul3A = arith.constant 2 : i32
    %mul3A_0 = arith.muli %arg1, %mul3A : i32
    %add3A = arith.addi %mul3A_0, %arg0 : i32
    %mul3A_1 = arith.constant 10000 : i32
    %mul3A_2 = arith.muli %add3A, %mul3A_1 : i32
    %scan3A = arith.constant 0 : i32
    %scan3A_3 = arith.constant 0 : i32
    %scan3A_4 = arith.constant 3 : i32
    %scan3A_5 = arith.addi %scan3A_3, %scan3A_4 : i32
    %scan3A_6 = arith.constant 1 : i32
    scf.for %scan3A_8 = %scan3A_3 to %scan3A_5 step %scan3A_6  : i32 {
      %mul3A_9 = arith.constant 625 : i32
      %mul3A_10 = arith.muli %arg1, %mul3A_9 : i32
      %add3A_11 = arith.constant 0 : i32
      %add3A_12 = arith.addi %mul3A_10, %add3A_11 : i32
      "tpu.region"() ({
        %run_scoped3A = tpu.sem_alloc : memref<!tpu.dma_semaphore, #tpu.memory_space<semaphore_mem>>
        %dma_start3A_121 = arith.constant 0 : i32
        %dma_start3A_122 = tpu.memref_slice %arg22[%add3A_12, %dma_start3A_121] : memref<10000x144xf32, #tpu.memory_space<vmem_shared>> -> memref<125x144xf32, #tpu.memory_space<vmem_shared>>
        tpu.enqueue_dma source(%arg6 : memref<125x144xf32, #tpu.memory_space<hbm>>) target(%dma_start3A_122 : memref<125x144xf32, #tpu.memory_space<vmem_shared>>) target_semaphore(%run_scoped3A : memref<!tpu.dma_semaphore, #tpu.memory_space<semaphore_mem>>)
        %dma_wait3A_123 = arith.constant 0 : i32
        %dma_wait3A_124 = tpu.memref_slice %arg22[%add3A_12, %dma_wait3A_123] : memref<10000x144xf32, #tpu.memory_space<vmem_shared>> -> memref<125x144xf32, #tpu.memory_space<vmem_shared>>
        tpu.wait_dma2 semaphore(%run_scoped3A : memref<!tpu.dma_semaphore, #tpu.memory_space<semaphore_mem>>) src(%arg6 : memref<125x144xf32, #tpu.memory_space<hbm>>) dst(%dma_wait3A_124 : memref<125x144xf32, #tpu.memory_space<vmem_shared>>)
        tpu.yield
      }) : () -> ()
      %mul3A_13 = arith.constant 625 : i32
      %mul3A_14 = arith.muli %arg1, %mul3A_13 : i32
      %add3A_15 = arith.constant 125 : i32
      %add3A_16 = arith.addi %mul3A_14, %add3A_15 : i32
      "tpu.region"() ({
        %run_scoped3A = tpu.sem_alloc : memref<!tpu.dma_semaphore, #tpu.memory_space<semaphore_mem>>
        %dma_start3A_121 = arith.constant 0 : i32
        %dma_start3A_122 = tpu.memref_slice %arg22[%add3A_16, %dma_start3A_121] : memref<10000x144xf32, #tpu.memory_space<vmem_shared>> -> memref<125x144xf32, #tpu.memory_space<vmem_shared>>
        tpu.enqueue_dma source(%arg6 : memref<125x144xf32, #tpu.memory_space<hbm>>) target(%dma_start3A_122 : memref<125x144xf32, #tpu.memory_space<vmem_shared>>) target_semaphore(%run_scoped3A : memref<!tpu.dma_semaphore, #tpu.memory_space<semaphore_mem>>)
        %dma_wait3A_123 = arith.constant 0 : i32
        %dma_wait3A_124 = tpu.memref_slice %arg22[%add3A_16, %dma_wait3A_123] : memref<10000x144xf32, #tpu.memory_space<vmem_shared>> -> memref<125x144xf32, #tpu.memory_space<vmem_shared>>
        tpu.wait_dma2 semaphore(%run_scoped3A : memref<!tpu.dma_semaphore, #tpu.memory_space<semaphore_mem>>) src(%arg6 : memref<125x144xf32, #tpu.memory_space<hbm>>) dst(%dma_wait3A_124 : memref<125x144xf32, #tpu.memory_space<vmem_shared>>)
        tpu.yield
      }) : () -> ()
      %mul3A_17 = arith.constant 625 : i32
      %mul3A_18 = arith.muli %arg1, %mul3A_17 : i32
      %add3A_19 = arith.constant 250 : i32
      %add3A_20 = arith.addi %mul3A_18, %add3A_19 : i32
      "tpu.region"() ({
        %run_scoped3A = tpu.sem_alloc : memref<!tpu.dma_semaphore, #tpu.memory_space<semaphore_mem>>
        %dma_start3A_121 = arith.constant 0 : i32
        %dma_start3A_122 = tpu.memref_slice %arg22[%add3A_20, %dma_start3A_121] : memref<10000x144xf32, #tpu.memory_space<vmem_shared>> -> memref<125x144xf32, #tpu.memory_space<vmem_shared>>
        tpu.enqueue_dma source(%arg6 : memref<125x144xf32, #tpu.memory_space<hbm>>) target(%dma_start3A_122 : memref<125x144xf32, #tpu.memory_space<vmem_shared>>) target_semaphore(%run_scoped3A : memref<!tpu.dma_semaphore, #tpu.memory_space<semaphore_mem>>)
        %dma_wait3A_123 = arith.constant 0 : i32
        %dma_wait3A_124 = tpu.memref_slice %arg22[%add3A_20, %dma_wait3A_123] : memref<10000x144xf32, #tpu.memory_space<vmem_shared>> -> memref<125x144xf32, #tpu.memory_space<vmem_shared>>
        tpu.wait_dma2 semaphore(%run_scoped3A : memref<!tpu.dma_semaphore, #tpu.memory_space<semaphore_mem>>) src(%arg6 : memref<125x144xf32, #tpu.memory_space<hbm>>) dst(%dma_wait3A_124 : memref<125x144xf32, #tpu.memory_space<vmem_shared>>)
        tpu.yield
      }) : () -> ()
      %mul3A_21 = arith.constant 625 : i32
      %mul3A_22 = arith.muli %arg1, %mul3A_21 : i32
      %add3A_23 = arith.constant 375 : i32
      %add3A_24 = arith.addi %mul3A_22, %add3A_23 : i32
      "tpu.region"() ({
        %run_scoped3A = tpu.sem_alloc : memref<!tpu.dma_semaphore, #tpu.memory_space<semaphore_mem>>
        %dma_start3A_121 = arith.constant 0 : i32
        %dma_start3A_122 = tpu.memref_slice %arg22[%add3A_24, %dma_start3A_121] : memref<10000x144xf32, #tpu.memory_space<vmem_shared>> -> memref<125x144xf32, #tpu.memory_space<vmem_shared>>
        tpu.enqueue_dma source(%arg6 : memref<125x144xf32, #tpu.memory_space<hbm>>) target(%dma_start3A_122 : memref<125x144xf32, #tpu.memory_space<vmem_shared>>) target_semaphore(%run_scoped3A : memref<!tpu.dma_semaphore, #tpu.memory_space<semaphore_mem>>)
        %dma_wait3A_123 = arith.constant 0 : i32
        %dma_wait3A_124 = tpu.memref_slice %arg22[%add3A_24, %dma_wait3A_123] : memref<10000x144xf32, #tpu.memory_space<vmem_shared>> -> memref<125x144xf32, #tpu.memory_space<vmem_shared>>
        tpu.wait_dma2 semaphore(%run_scoped3A : memref<!tpu.dma_semaphore, #tpu.memory_space<semaphore_mem>>) src(%arg6 : memref<125x144xf32, #tpu.memory_space<hbm>>) dst(%dma_wait3A_124 : memref<125x144xf32, #tpu.memory_space<vmem_shared>>)
        tpu.yield
      }) : () -> ()
      %mul3A_25 = arith.constant 625 : i32
      %mul3A_26 = arith.muli %arg1, %mul3A_25 : i32
      %add3A_27 = arith.constant 500 : i32
      %add3A_28 = arith.addi %mul3A_26, %add3A_27 : i32
      "tpu.region"() ({
        %run_scoped3A = tpu.sem_alloc : memref<!tpu.dma_semaphore, #tpu.memory_space<semaphore_mem>>
        %dma_start3A_121 = arith.constant 0 : i32
        %dma_start3A_122 = tpu.memref_slice %arg22[%add3A_28, %dma_start3A_121] : memref<10000x144xf32, #tpu.memory_space<vmem_shared>> -> memref<125x144xf32, #tpu.memory_space<vmem_shared>>
        tpu.enqueue_dma source(%arg6 : memref<125x144xf32, #tpu.memory_space<hbm>>) target(%dma_start3A_122 : memref<125x144xf32, #tpu.memory_space<vmem_shared>>) target_semaphore(%run_scoped3A : memref<!tpu.dma_semaphore, #tpu.memory_space<semaphore_mem>>)
        %dma_wait3A_123 = arith.constant 0 : i32
        %dma_wait3A_124 = tpu.memref_slice %arg22[%add3A_28, %dma_wait3A_123] : memref<10000x144xf32, #tpu.memory_space<vmem_shared>> -> memref<125x144xf32, #tpu.memory_space<vmem_shared>>
        tpu.wait_dma2 semaphore(%run_scoped3A : memref<!tpu.dma_semaphore, #tpu.memory_space<semaphore_mem>>) src(%arg6 : memref<125x144xf32, #tpu.memory_space<hbm>>) dst(%dma_wait3A_124 : memref<125x144xf32, #tpu.memory_space<vmem_shared>>)
        tpu.yield
      }) : () -> ()
      %add3A_29 = arith.constant 0 : i32
      %add3A_30 = arith.addi %mul3A_2, %add3A_29 : i32
      %dma_start3A = arith.constant 0 : i32
      %dma_start3A_31 = tpu.memref_slice %arg4[%scan3A_8, %dma_start3A, %add3A_30] : memref<3x2x320000xi32, #tpu.memory_space<hbm>> -> memref<1x1x40xi32, #tpu.memory_space<hbm>>
      %dma_start3A_32 = tpu.memref_squeeze %dma_start3A_31 : memref<1x1x40xi32, #tpu.memory_space<hbm>> -> memref<40xi32, #tpu.memory_space<hbm>>
      %dma_start3A_33 = tpu.memref_slice %arg4[%scan3A_8, %dma_start3A, %add3A_30] : memref<3x2x320000xi32, #tpu.memory_space<hbm>> -> memref<1x1x40xi32, #tpu.memory_space<hbm>>
      %dma_start3A_34 = tpu.memref_squeeze %dma_start3A_33 : memref<1x1x40xi32, #tpu.memory_space<hbm>> -> memref<40xi32, #tpu.memory_space<hbm>>
      tpu.enqueue_dma source(%dma_start3A_34 : memref<40xi32, #tpu.memory_space<hbm>>) target(%arg8 : memref<40xi32, #tpu.memory_space<vmem>>) target_semaphore(%arg23 : memref<!tpu.dma_semaphore, #tpu.memory_space<semaphore_mem>>)
      %dma_start3A_35 = arith.constant 1 : i32
      %dma_start3A_36 = tpu.memref_slice %arg4[%scan3A_8, %dma_start3A_35, %add3A_30] : memref<3x2x320000xi32, #tpu.memory_space<hbm>> -> memref<1x1x40xi32, #tpu.memory_space<hbm>>
      %dma_start3A_37 = tpu.memref_squeeze %dma_start3A_36 : memref<1x1x40xi32, #tpu.memory_space<hbm>> -> memref<40xi32, #tpu.memory_space<hbm>>
      %dma_start3A_38 = tpu.memref_slice %arg4[%scan3A_8, %dma_start3A_35, %add3A_30] : memref<3x2x320000xi32, #tpu.memory_space<hbm>> -> memref<1x1x40xi32, #tpu.memory_space<hbm>>
      %dma_start3A_39 = tpu.memref_squeeze %dma_start3A_38 : memref<1x1x40xi32, #tpu.memory_space<hbm>> -> memref<40xi32, #tpu.memory_space<hbm>>
      tpu.enqueue_dma source(%dma_start3A_39 : memref<40xi32, #tpu.memory_space<hbm>>) target(%arg9 : memref<40xi32, #tpu.memory_space<vmem>>) target_semaphore(%arg23 : memref<!tpu.dma_semaphore, #tpu.memory_space<semaphore_mem>>)
      %dma_start3A_40 = tpu.memref_slice %arg5[%scan3A_8, %add3A_30] : memref<3x320000xf32, #tpu.memory_space<hbm>> -> memref<1x40xf32, #tpu.memory_space<hbm>>
      %dma_start3A_41 = tpu.memref_squeeze %dma_start3A_40 : memref<1x40xf32, #tpu.memory_space<hbm>> -> memref<40xf32, #tpu.memory_space<hbm>>
      %dma_start3A_42 = tpu.memref_slice %arg5[%scan3A_8, %add3A_30] : memref<3x320000xf32, #tpu.memory_space<hbm>> -> memref<1x40xf32, #tpu.memory_space<hbm>>
      %dma_start3A_43 = tpu.memref_squeeze %dma_start3A_42 : memref<1x40xf32, #tpu.memory_space<hbm>> -> memref<40xf32, #tpu.memory_space<hbm>>
      tpu.enqueue_dma source(%dma_start3A_43 : memref<40xf32, #tpu.memory_space<hbm>>) target(%arg10 : memref<40xf32, #tpu.memory_space<vmem>>) target_semaphore(%arg23 : memref<!tpu.dma_semaphore, #tpu.memory_space<semaphore_mem>>)
      %add3A_44 = arith.constant 40 : i32
      %add3A_45 = arith.addi %mul3A_2, %add3A_44 : i32
      %dma_start3A_46 = arith.constant 0 : i32
      %dma_start3A_47 = tpu.memref_slice %arg4[%scan3A_8, %dma_start3A_46, %add3A_45] : memref<3x2x320000xi32, #tpu.memory_space<hbm>> -> memref<1x1x40xi32, #tpu.memory_space<hbm>>
      %dma_start3A_48 = tpu.memref_squeeze %dma_start3A_47 : memref<1x1x40xi32, #tpu.memory_space<hbm>> -> memref<40xi32, #tpu.memory_space<hbm>>
      %dma_start3A_49 = tpu.memref_slice %arg4[%scan3A_8, %dma_start3A_46, %add3A_45] : memref<3x2x320000xi32, #tpu.memory_space<hbm>> -> memref<1x1x40xi32, #tpu.memory_space<hbm>>
      %dma_start3A_50 = tpu.memref_squeeze %dma_start3A_49 : memref<1x1x40xi32, #tpu.memory_space<hbm>> -> memref<40xi32, #tpu.memory_space<hbm>>
      tpu.enqueue_dma source(%dma_start3A_50 : memref<40xi32, #tpu.memory_space<hbm>>) target(%arg15 : memref<40xi32, #tpu.memory_space<vmem>>) target_semaphore(%arg24 : memref<!tpu.dma_semaphore, #tpu.memory_space<semaphore_mem>>)
      %dma_start3A_51 = arith.constant 1 : i32
      %dma_start3A_52 = tpu.memref_slice %arg4[%scan3A_8, %dma_start3A_51, %add3A_45] : memref<3x2x320000xi32, #tpu.memory_space<hbm>> -> memref<1x1x40xi32, #tpu.memory_space<hbm>>
      %dma_start3A_53 = tpu.memref_squeeze %dma_start3A_52 : memref<1x1x40xi32, #tpu.memory_space<hbm>> -> memref<40xi32, #tpu.memory_space<hbm>>
      %dma_start3A_54 = tpu.memref_slice %arg4[%scan3A_8, %dma_start3A_51, %add3A_45] : memref<3x2x320000xi32, #tpu.memory_space<hbm>> -> memref<1x1x40xi32, #tpu.memory_space<hbm>>
      %dma_start3A_55 = tpu.memref_squeeze %dma_start3A_54 : memref<1x1x40xi32, #tpu.memory_space<hbm>> -> memref<40xi32, #tpu.memory_space<hbm>>
      tpu.enqueue_dma source(%dma_start3A_55 : memref<40xi32, #tpu.memory_space<hbm>>) target(%arg16 : memref<40xi32, #tpu.memory_space<vmem>>) target_semaphore(%arg24 : memref<!tpu.dma_semaphore, #tpu.memory_space<semaphore_mem>>)
      %dma_start3A_56 = tpu.memref_slice %arg5[%scan3A_8, %add3A_45] : memref<3x320000xf32, #tpu.memory_space<hbm>> -> memref<1x40xf32, #tpu.memory_space<hbm>>
      %dma_start3A_57 = tpu.memref_squeeze %dma_start3A_56 : memref<1x40xf32, #tpu.memory_space<hbm>> -> memref<40xf32, #tpu.memory_space<hbm>>
      %dma_start3A_58 = tpu.memref_slice %arg5[%scan3A_8, %add3A_45] : memref<3x320000xf32, #tpu.memory_space<hbm>> -> memref<1x40xf32, #tpu.memory_space<hbm>>
      %dma_start3A_59 = tpu.memref_squeeze %dma_start3A_58 : memref<1x40xf32, #tpu.memory_space<hbm>> -> memref<40xf32, #tpu.memory_space<hbm>>
      tpu.enqueue_dma source(%dma_start3A_59 : memref<40xf32, #tpu.memory_space<hbm>>) target(%arg17 : memref<40xf32, #tpu.memory_space<vmem>>) target_semaphore(%arg24 : memref<!tpu.dma_semaphore, #tpu.memory_space<semaphore_mem>>)
      %dma_wait3A = arith.constant 0 : i32
      %dma_wait3A_60 = arith.constant 0 : i32
      %dma_wait3A_61 = arith.constant 0 : i32
      %dma_wait3A_62 = tpu.memref_slice %arg4[%dma_wait3A, %dma_wait3A_60, %dma_wait3A_61] : memref<3x2x320000xi32, #tpu.memory_space<hbm>> -> memref<1x1x40xi32, #tpu.memory_space<hbm>>
      %dma_wait3A_63 = tpu.memref_squeeze %dma_wait3A_62 : memref<1x1x40xi32, #tpu.memory_space<hbm>> -> memref<40xi32, #tpu.memory_space<hbm>>
      %dma_wait3A_64 = arith.constant 0 : i32
      %dma_wait3A_65 = tpu.memref_slice %arg4[%dma_wait3A, %dma_wait3A_60, %dma_wait3A_64] : memref<3x2x320000xi32, #tpu.memory_space<hbm>> -> memref<1x1x40xi32, #tpu.memory_space<hbm>>
      %dma_wait3A_66 = tpu.memref_squeeze %dma_wait3A_65 : memref<1x1x40xi32, #tpu.memory_space<hbm>> -> memref<40xi32, #tpu.memory_space<hbm>>
      tpu.wait_dma2 semaphore(%arg23 : memref<!tpu.dma_semaphore, #tpu.memory_space<semaphore_mem>>) src(%dma_wait3A_66 : memref<40xi32, #tpu.memory_space<hbm>>) dst(%arg8 : memref<40xi32, #tpu.memory_space<vmem>>)
      %dma_wait3A_67 = arith.constant 0 : i32
      %dma_wait3A_68 = arith.constant 1 : i32
      %dma_wait3A_69 = arith.constant 0 : i32
      %dma_wait3A_70 = tpu.memref_slice %arg4[%dma_wait3A_67, %dma_wait3A_68, %dma_wait3A_69] : memref<3x2x320000xi32, #tpu.memory_space<hbm>> -> memref<1x1x40xi32, #tpu.memory_space<hbm>>
      %dma_wait3A_71 = tpu.memref_squeeze %dma_wait3A_70 : memref<1x1x40xi32, #tpu.memory_space<hbm>> -> memref<40xi32, #tpu.memory_space<hbm>>
      %dma_wait3A_72 = arith.constant 0 : i32
      %dma_wait3A_73 = tpu.memref_slice %arg4[%dma_wait3A_67, %dma_wait3A_68, %dma_wait3A_72] : memref<3x2x320000xi32, #tpu.memory_space<hbm>> -> memref<1x1x40xi32, #tpu.memory_space<hbm>>
      %dma_wait3A_74 = tpu.memref_squeeze %dma_wait3A_73 : memref<1x1x40xi32, #tpu.memory_space<hbm>> -> memref<40xi32, #tpu.memory_space<hbm>>
      tpu.wait_dma2 semaphore(%arg23 : memref<!tpu.dma_semaphore, #tpu.memory_space<semaphore_mem>>) src(%dma_wait3A_74 : memref<40xi32, #tpu.memory_space<hbm>>) dst(%arg9 : memref<40xi32, #tpu.memory_space<vmem>>)
      %dma_wait3A_75 = arith.constant 0 : i32
      %dma_wait3A_76 = arith.constant 0 : i32
      %dma_wait3A_77 = tpu.memref_slice %arg5[%dma_wait3A_75, %dma_wait3A_76] : memref<3x320000xf32, #tpu.memory_space<hbm>> -> memref<1x40xf32, #tpu.memory_space<hbm>>
      %dma_wait3A_78 = tpu.memref_squeeze %dma_wait3A_77 : memref<1x40xf32, #tpu.memory_space<hbm>> -> memref<40xf32, #tpu.memory_space<hbm>>
      %dma_wait3A_79 = arith.constant 0 : i32
      %dma_wait3A_80 = tpu.memref_slice %arg5[%dma_wait3A_75, %dma_wait3A_79] : memref<3x320000xf32, #tpu.memory_space<hbm>> -> memref<1x40xf32, #tpu.memory_space<hbm>>
      %dma_wait3A_81 = tpu.memref_squeeze %dma_wait3A_80 : memref<1x40xf32, #tpu.memory_space<hbm>> -> memref<40xf32, #tpu.memory_space<hbm>>
      tpu.wait_dma2 semaphore(%arg23 : memref<!tpu.dma_semaphore, #tpu.memory_space<semaphore_mem>>) src(%dma_wait3A_81 : memref<40xf32, #tpu.memory_space<hbm>>) dst(%arg10 : memref<40xf32, #tpu.memory_space<vmem>>)
      %dma_start3A_82 = arith.constant 0 : i32
      %dma_start3A_83 = arith.constant 0 : i32
      %dma_start3A_84 = tpu.memref_slice %arg2[%scan3A_8, %dma_start3A_82, %dma_start3A_83] : memref<3x10000x144xf32, #tpu.memory_space<hbm>> -> memref<1x40x144xf32, #tpu.memory_space<hbm>>
      %dma_start3A_85 = tpu.memref_squeeze %dma_start3A_84 : memref<1x40x144xf32, #tpu.memory_space<hbm>> -> memref<40x144xf32, #tpu.memory_space<hbm>>
      %dma_start3A_86 = arith.constant 0 : i32
      %dma_start3A_87 = arith.constant 0 : i32
      %dma_start3A_88 = tpu.memref_slice %arg2[%scan3A_8, %dma_start3A_86, %dma_start3A_87] : memref<3x10000x144xf32, #tpu.memory_space<hbm>> -> memref<1x40x144xf32, #tpu.memory_space<hbm>>
      %dma_start3A_89 = tpu.memref_squeeze %dma_start3A_88 : memref<1x40x144xf32, #tpu.memory_space<hbm>> -> memref<40x144xf32, #tpu.memory_space<hbm>>
      tpu.enqueue_dma source(%dma_start3A_89 : memref<40x144xf32, #tpu.memory_space<hbm>>) target(%arg12 : memref<40x144xf32, #tpu.memory_space<vmem>>) target_semaphore(%arg25 : memref<!tpu.dma_semaphore, #tpu.memory_space<semaphore_mem>>)
      %dma_start3A_90 = arith.constant 0 : i32
      %dma_start3A_91 = arith.constant 0 : i32
      %dma_start3A_92 = tpu.memref_slice %arg3[%scan3A_8, %dma_start3A_90, %dma_start3A_91] : memref<3x10000x16xf32, #tpu.memory_space<hbm>> -> memref<1x40x16xf32, #tpu.memory_space<hbm>>
      %dma_start3A_93 = tpu.memref_squeeze %dma_start3A_92 : memref<1x40x16xf32, #tpu.memory_space<hbm>> -> memref<40x16xf32, #tpu.memory_space<hbm>>
      %dma_start3A_94 = arith.constant 0 : i32
      %dma_start3A_95 = arith.constant 0 : i32
      %dma_start3A_96 = tpu.memref_slice %arg3[%scan3A_8, %dma_start3A_94, %dma_start3A_95] : memref<3x10000x16xf32, #tpu.memory_space<hbm>> -> memref<1x40x16xf32, #tpu.memory_space<hbm>>
      %dma_start3A_97 = tpu.memref_squeeze %dma_start3A_96 : memref<1x40x16xf32, #tpu.memory_space<hbm>> -> memref<40x16xf32, #tpu.memory_space<hbm>>
      tpu.enqueue_dma source(%dma_start3A_97 : memref<40x16xf32, #tpu.memory_space<hbm>>) target(%arg13 : memref<40x16xf32, #tpu.memory_space<vmem>>) target_semaphore(%arg27 : memref<!tpu.dma_semaphore, #tpu.memory_space<semaphore_mem>>)
      %barrier3A = arith.constant 0 : index
      tpu.barrier barrier_id(%barrier3A)
      %scan3A_98 = arith.constant 0 : i32
      %scan3A_99 = arith.constant 0 : i32
      %scan3A_100 = arith.constant 125 : i32
      %scan3A_101 = arith.addi %scan3A_99, %scan3A_100 : i32
      %scan3A_102 = arith.constant 1 : i32
      scf.for %scan3A_121 = %scan3A_99 to %scan3A_101 step %scan3A_102  : i32 {
        %mul3A_122 = arith.constant 2 : i32
        %mul3A_123 = arith.muli %mul3A_122, %scan3A_121 : i32
        %add3A_124 = arith.constant 0 : i32
        %add3A_125 = arith.addi %mul3A_123, %add3A_124 : i32
        %lt3A = arith.constant 124 : i32
        %lt3A_126 = arith.cmpi slt, %scan3A_121, %lt3A : i32
        %or3A = arith.constant true
        %or3A_127 = arith.ori %or3A, %lt3A_126 : i1
        %convert_element_type3A = arith.extui %or3A_127 : i1 to i32
        %cond3A = arith.constant 0 : i32
        %cond3A_128 = arith.cmpi ne, %convert_element_type3A, %cond3A : i32
        scf.if %cond3A_128 {
          %dma_wait3A_247 = arith.constant 0 : i32
          %dma_wait3A_248 = arith.constant 0 : i32
          %dma_wait3A_249 = arith.constant 0 : i32
          %dma_wait3A_250 = tpu.memref_slice %arg4[%dma_wait3A_247, %dma_wait3A_248, %dma_wait3A_249] : memref<3x2x320000xi32, #tpu.memory_space<hbm>> -> memref<1x1x40xi32, #tpu.memory_space<hbm>>
          %dma_wait3A_251 = tpu.memref_squeeze %dma_wait3A_250 : memref<1x1x40xi32, #tpu.memory_space<hbm>> -> memref<40xi32, #tpu.memory_space<hbm>>
          %dma_wait3A_252 = arith.constant 0 : i32
          %dma_wait3A_253 = tpu.memref_slice %arg4[%dma_wait3A_247, %dma_wait3A_248, %dma_wait3A_252] : memref<3x2x320000xi32, #tpu.memory_space<hbm>> -> memref<1x1x40xi32, #tpu.memory_space<hbm>>
          %dma_wait3A_254 = tpu.memref_squeeze %dma_wait3A_253 : memref<1x1x40xi32, #tpu.memory_space<hbm>> -> memref<40xi32, #tpu.memory_space<hbm>>
          tpu.wait_dma2 semaphore(%arg24 : memref<!tpu.dma_semaphore, #tpu.memory_space<semaphore_mem>>) src(%dma_wait3A_254 : memref<40xi32, #tpu.memory_space<hbm>>) dst(%arg15 : memref<40xi32, #tpu.memory_space<vmem>>)
          %dma_wait3A_255 = arith.constant 0 : i32
          %dma_wait3A_256 = arith.constant 1 : i32
          %dma_wait3A_257 = arith.constant 0 : i32
          %dma_wait3A_258 = tpu.memref_slice %arg4[%dma_wait3A_255, %dma_wait3A_256, %dma_wait3A_257] : memref<3x2x320000xi32, #tpu.memory_space<hbm>> -> memref<1x1x40xi32, #tpu.memory_space<hbm>>
          %dma_wait3A_259 = tpu.memref_squeeze %dma_wait3A_258 : memref<1x1x40xi32, #tpu.memory_space<hbm>> -> memref<40xi32, #tpu.memory_space<hbm>>
          %dma_wait3A_260 = arith.constant 0 : i32
          %dma_wait3A_261 = tpu.memref_slice %arg4[%dma_wait3A_255, %dma_wait3A_256, %dma_wait3A_260] : memref<3x2x320000xi32, #tpu.memory_space<hbm>> -> memref<1x1x40xi32, #tpu.memory_space<hbm>>
          %dma_wait3A_262 = tpu.memref_squeeze %dma_wait3A_261 : memref<1x1x40xi32, #tpu.memory_space<hbm>> -> memref<40xi32, #tpu.memory_space<hbm>>
          tpu.wait_dma2 semaphore(%arg24 : memref<!tpu.dma_semaphore, #tpu.memory_space<semaphore_mem>>) src(%dma_wait3A_262 : memref<40xi32, #tpu.memory_space<hbm>>) dst(%arg16 : memref<40xi32, #tpu.memory_space<vmem>>)
          %dma_wait3A_263 = arith.constant 0 : i32
          %dma_wait3A_264 = arith.constant 0 : i32
          %dma_wait3A_265 = tpu.memref_slice %arg5[%dma_wait3A_263, %dma_wait3A_264] : memref<3x320000xf32, #tpu.memory_space<hbm>> -> memref<1x40xf32, #tpu.memory_space<hbm>>
          %dma_wait3A_266 = tpu.memref_squeeze %dma_wait3A_265 : memref<1x40xf32, #tpu.memory_space<hbm>> -> memref<40xf32, #tpu.memory_space<hbm>>
          %dma_wait3A_267 = arith.constant 0 : i32
          %dma_wait3A_268 = tpu.memref_slice %arg5[%dma_wait3A_263, %dma_wait3A_267] : memref<3x320000xf32, #tpu.memory_space<hbm>> -> memref<1x40xf32, #tpu.memory_space<hbm>>
          %dma_wait3A_269 = tpu.memref_squeeze %dma_wait3A_268 : memref<1x40xf32, #tpu.memory_space<hbm>> -> memref<40xf32, #tpu.memory_space<hbm>>
          tpu.wait_dma2 semaphore(%arg24 : memref<!tpu.dma_semaphore, #tpu.memory_space<semaphore_mem>>) src(%dma_wait3A_269 : memref<40xf32, #tpu.memory_space<hbm>>) dst(%arg17 : memref<40xf32, #tpu.memory_space<vmem>>)
          %dma_start3A_270 = arith.constant 0 : i32
          %dma_start3A_271 = arith.constant 0 : i32
          %dma_start3A_272 = tpu.memref_slice %arg2[%scan3A_8, %dma_start3A_270, %dma_start3A_271] : memref<3x10000x144xf32, #tpu.memory_space<hbm>> -> memref<1x40x144xf32, #tpu.memory_space<hbm>>
          %dma_start3A_273 = tpu.memref_squeeze %dma_start3A_272 : memref<1x40x144xf32, #tpu.memory_space<hbm>> -> memref<40x144xf32, #tpu.memory_space<hbm>>
          %dma_start3A_274 = arith.constant 0 : i32
          %dma_start3A_275 = arith.constant 0 : i32
          %dma_start3A_276 = tpu.memref_slice %arg2[%scan3A_8, %dma_start3A_274, %dma_start3A_275] : memref<3x10000x144xf32, #tpu.memory_space<hbm>> -> memref<1x40x144xf32, #tpu.memory_space<hbm>>
          %dma_start3A_277 = tpu.memref_squeeze %dma_start3A_276 : memref<1x40x144xf32, #tpu.memory_space<hbm>> -> memref<40x144xf32, #tpu.memory_space<hbm>>
          tpu.enqueue_dma source(%dma_start3A_277 : memref<40x144xf32, #tpu.memory_space<hbm>>) target(%arg19 : memref<40x144xf32, #tpu.memory_space<vmem>>) target_semaphore(%arg26 : memref<!tpu.dma_semaphore, #tpu.memory_space<semaphore_mem>>)
          %dma_start3A_278 = arith.constant 0 : i32
          %dma_start3A_279 = arith.constant 0 : i32
          %dma_start3A_280 = tpu.memref_slice %arg3[%scan3A_8, %dma_start3A_278, %dma_start3A_279] : memref<3x10000x16xf32, #tpu.memory_space<hbm>> -> memref<1x40x16xf32, #tpu.memory_space<hbm>>
          %dma_start3A_281 = tpu.memref_squeeze %dma_start3A_280 : memref<1x40x16xf32, #tpu.memory_space<hbm>> -> memref<40x16xf32, #tpu.memory_space<hbm>>
          %dma_start3A_282 = arith.constant 0 : i32
          %dma_start3A_283 = arith.constant 0 : i32
          %dma_start3A_284 = tpu.memref_slice %arg3[%scan3A_8, %dma_start3A_282, %dma_start3A_283] : memref<3x10000x16xf32, #tpu.memory_space<hbm>> -> memref<1x40x16xf32, #tpu.memory_space<hbm>>
          %dma_start3A_285 = tpu.memref_squeeze %dma_start3A_284 : memref<1x40x16xf32, #tpu.memory_space<hbm>> -> memref<40x16xf32, #tpu.memory_space<hbm>>
          tpu.enqueue_dma source(%dma_start3A_285 : memref<40x16xf32, #tpu.memory_space<hbm>>) target(%arg20 : memref<40x16xf32, #tpu.memory_space<vmem>>) target_semaphore(%arg28 : memref<!tpu.dma_semaphore, #tpu.memory_space<semaphore_mem>>)
        } else {
        }
        %dma_wait3A_129 = arith.constant 0 : i32
        %dma_wait3A_130 = arith.constant 0 : i32
        %dma_wait3A_131 = arith.constant 0 : i32
        %dma_wait3A_132 = tpu.memref_slice %arg2[%dma_wait3A_129, %dma_wait3A_130, %dma_wait3A_131] : memref<3x10000x144xf32, #tpu.memory_space<hbm>> -> memref<1x40x144xf32, #tpu.memory_space<hbm>>
        %dma_wait3A_133 = tpu.memref_squeeze %dma_wait3A_132 : memref<1x40x144xf32, #tpu.memory_space<hbm>> -> memref<40x144xf32, #tpu.memory_space<hbm>>
        %dma_wait3A_134 = arith.constant 0 : i32
        %dma_wait3A_135 = arith.constant 0 : i32
        %dma_wait3A_136 = tpu.memref_slice %arg2[%dma_wait3A_129, %dma_wait3A_134, %dma_wait3A_135] : memref<3x10000x144xf32, #tpu.memory_space<hbm>> -> memref<1x40x144xf32, #tpu.memory_space<hbm>>
        %dma_wait3A_137 = tpu.memref_squeeze %dma_wait3A_136 : memref<1x40x144xf32, #tpu.memory_space<hbm>> -> memref<40x144xf32, #tpu.memory_space<hbm>>
        tpu.wait_dma2 semaphore(%arg25 : memref<!tpu.dma_semaphore, #tpu.memory_space<semaphore_mem>>) src(%dma_wait3A_137 : memref<40x144xf32, #tpu.memory_space<hbm>>) dst(%arg12 : memref<40x144xf32, #tpu.memory_space<vmem>>)
        %dma_wait3A_138 = arith.constant 0 : i32
        %dma_wait3A_139 = arith.constant 0 : i32
        %dma_wait3A_140 = arith.constant 0 : i32
        %dma_wait3A_141 = tpu.memref_slice %arg3[%dma_wait3A_138, %dma_wait3A_139, %dma_wait3A_140] : memref<3x10000x16xf32, #tpu.memory_space<hbm>> -> memref<1x40x16xf32, #tpu.memory_space<hbm>>
        %dma_wait3A_142 = tpu.memref_squeeze %dma_wait3A_141 : memref<1x40x16xf32, #tpu.memory_space<hbm>> -> memref<40x16xf32, #tpu.memory_space<hbm>>
        %dma_wait3A_143 = arith.constant 0 : i32
        %dma_wait3A_144 = arith.constant 0 : i32
        %dma_wait3A_145 = tpu.memref_slice %arg3[%dma_wait3A_138, %dma_wait3A_143, %dma_wait3A_144] : memref<3x10000x16xf32, #tpu.memory_space<hbm>> -> memref<1x40x16xf32, #tpu.memory_space<hbm>>
        %dma_wait3A_146 = tpu.memref_squeeze %dma_wait3A_145 : memref<1x40x16xf32, #tpu.memory_space<hbm>> -> memref<40x16xf32, #tpu.memory_space<hbm>>
        tpu.wait_dma2 semaphore(%arg27 : memref<!tpu.dma_semaphore, #tpu.memory_space<semaphore_mem>>) src(%dma_wait3A_146 : memref<40x16xf32, #tpu.memory_space<hbm>>) dst(%arg13 : memref<40x16xf32, #tpu.memory_space<vmem>>)
        %ge3A = arith.constant 1 : i32
        %ge3A_147 = arith.cmpi sge, %scan3A_121, %ge3A : i32
        %convert_element_type3A_148 = arith.extui %ge3A_147 : i1 to i32
        %cond3A_149 = arith.constant 0 : i32
        %cond3A_150 = arith.cmpi ne, %convert_element_type3A_148, %cond3A_149 : i32
        scf.if %cond3A_150 {
          %dma_wait3A_247 = arith.constant 0 : i32
          %dma_wait3A_248 = arith.constant 0 : i32
          %dma_wait3A_249 = tpu.memref_slice %arg22[%dma_wait3A_247, %dma_wait3A_248] : memref<10000x144xf32, #tpu.memory_space<vmem_shared>> -> memref<40x144xf32, #tpu.memory_space<vmem_shared>>
          %dma_wait3A_250 = arith.constant 0 : i32
          %dma_wait3A_251 = arith.constant 0 : i32
          %dma_wait3A_252 = tpu.memref_slice %arg22[%dma_wait3A_250, %dma_wait3A_251] : memref<10000x144xf32, #tpu.memory_space<vmem_shared>> -> memref<40x144xf32, #tpu.memory_space<vmem_shared>>
          tpu.wait_dma2 semaphore(%arg29 : memref<!tpu.dma_semaphore, #tpu.memory_space<semaphore_mem>>) src(%arg14 : memref<40x144xf32, #tpu.memory_space<vmem>>) dst(%dma_wait3A_252 : memref<40x144xf32, #tpu.memory_space<vmem_shared>>)
        } else {
        }
        %get3A = arith.constant 0 : index
        %get3A_151 = tpu.vector_load %arg8[%get3A] {strides = array<i32>} : memref<40xi32, #tpu.memory_space<vmem>>, vector<16xi32>,
        %get3A_152 = vector.shape_cast %get3A_151 : vector<16xi32> to vector<16xi32>
        %swap3A = arith.constant 0 : index
        %swap3A_153 = tpu.vector_load %arg11[%swap3A] {strides = array<i32>} : memref<40xi32, #tpu.memory_space<vmem>>, vector<16xi32>,
        %swap3A_154 = vector.shape_cast %swap3A_153 : vector<16xi32> to vector<16xi32>
        %swap3A_155 = vector.shape_cast %get3A_152 : vector<16xi32> to vector<16xi32>
        tpu.vector_store %arg11[%swap3A], %swap3A_155 {strides = array<i32>} : memref<40xi32, #tpu.memory_space<vmem>>, vector<16xi32>,
        %get3A_156 = arith.constant 16 : index
        %get3A_157 = tpu.vector_load %arg8[%get3A_156] {strides = array<i32>} : memref<40xi32, #tpu.memory_space<vmem>>, vector<16xi32>,
        %get3A_158 = vector.shape_cast %get3A_157 : vector<16xi32> to vector<16xi32>
        %swap3A_159 = arith.constant 16 : index
        %swap3A_160 = tpu.vector_load %arg11[%swap3A_159] {strides = array<i32>} : memref<40xi32, #tpu.memory_space<vmem>>, vector<16xi32>,
        %swap3A_161 = vector.shape_cast %swap3A_160 : vector<16xi32> to vector<16xi32>
        %swap3A_162 = vector.shape_cast %get3A_158 : vector<16xi32> to vector<16xi32>
        tpu.vector_store %arg11[%swap3A_159], %swap3A_162 {strides = array<i32>} : memref<40xi32, #tpu.memory_space<vmem>>, vector<16xi32>,
        %get3A_163 = arith.constant 24 : index
        %get3A_164 = tpu.vector_load %arg8[%get3A_163] {strides = array<i32>} : memref<40xi32, #tpu.memory_space<vmem>>, vector<16xi32>,
        %get3A_165 = vector.shape_cast %get3A_164 : vector<16xi32> to vector<16xi32>
        %swap3A_166 = arith.constant 24 : index
        %swap3A_167 = tpu.vector_load %arg11[%swap3A_166] {strides = array<i32>} : memref<40xi32, #tpu.memory_space<vmem>>, vector<16xi32>,
        %swap3A_168 = vector.shape_cast %swap3A_167 : vector<16xi32> to vector<16xi32>
        %swap3A_169 = vector.shape_cast %get3A_165 : vector<16xi32> to vector<16xi32>
        tpu.vector_store %arg11[%swap3A_166], %swap3A_169 {strides = array<i32>} : memref<40xi32, #tpu.memory_space<vmem>>, vector<16xi32>,
        %dma_start3A_170 = arith.constant 0 : i32
        %dma_start3A_171 = arith.constant 0 : i32
        %dma_start3A_172 = tpu.memref_slice %arg22[%dma_start3A_170, %dma_start3A_171] : memref<10000x144xf32, #tpu.memory_space<vmem_shared>> -> memref<40x144xf32, #tpu.memory_space<vmem_shared>>
        %dma_start3A_173 = arith.constant 0 : i32
        %dma_start3A_174 = arith.constant 0 : i32
        %dma_start3A_175 = tpu.memref_slice %arg22[%dma_start3A_173, %dma_start3A_174] : memref<10000x144xf32, #tpu.memory_space<vmem_shared>> -> memref<40x144xf32, #tpu.memory_space<vmem_shared>>
        tpu.enqueue_dma source(%arg14 : memref<40x144xf32, #tpu.memory_space<vmem>>) target(%dma_start3A_175 : memref<40x144xf32, #tpu.memory_space<vmem_shared>>) target_semaphore(%arg29 : memref<!tpu.dma_semaphore, #tpu.memory_space<semaphore_mem>>)
        %lt3A_176 = arith.constant 124 : i32
        %lt3A_177 = arith.cmpi slt, %scan3A_121, %lt3A_176 : i32
        %convert_element_type3A_178 = arith.extui %lt3A_177 : i1 to i32
        %cond3A_179 = arith.constant 0 : i32
        %cond3A_180 = arith.cmpi ne, %convert_element_type3A_178, %cond3A_179 : i32
        scf.if %cond3A_180 {
          %add3A_247 = arith.constant 2 : i32
          %add3A_248 = arith.addi %add3A_125, %add3A_247 : i32
          %mul3A_249 = arith.constant 40 : i32
          %mul3A_250 = arith.muli %add3A_248, %mul3A_249 : i32
          %add3A_251 = arith.addi %mul3A_2, %mul3A_250 : i32
          %dma_start3A_252 = arith.constant 0 : i32
          %dma_start3A_253 = tpu.memref_slice %arg4[%scan3A_8, %dma_start3A_252, %add3A_251] : memref<3x2x320000xi32, #tpu.memory_space<hbm>> -> memref<1x1x40xi32, #tpu.memory_space<hbm>>
          %dma_start3A_254 = tpu.memref_squeeze %dma_start3A_253 : memref<1x1x40xi32, #tpu.memory_space<hbm>> -> memref<40xi32, #tpu.memory_space<hbm>>
          %dma_start3A_255 = tpu.memref_slice %arg4[%scan3A_8, %dma_start3A_252, %add3A_251] : memref<3x2x320000xi32, #tpu.memory_space<hbm>> -> memref<1x1x40xi32, #tpu.memory_space<hbm>>
          %dma_start3A_256 = tpu.memref_squeeze %dma_start3A_255 : memref<1x1x40xi32, #tpu.memory_space<hbm>> -> memref<40xi32, #tpu.memory_space<hbm>>
          tpu.enqueue_dma source(%dma_start3A_256 : memref<40xi32, #tpu.memory_space<hbm>>) target(%arg8 : memref<40xi32, #tpu.memory_space<vmem>>) target_semaphore(%arg23 : memref<!tpu.dma_semaphore, #tpu.memory_space<semaphore_mem>>)
          %dma_start3A_257 = arith.constant 1 : i32
          %dma_start3A_258 = tpu.memref_slice %arg4[%scan3A_8, %dma_start3A_257, %add3A_251] : memref<3x2x320000xi32, #tpu.memory_space<hbm>> -> memref<1x1x40xi32, #tpu.memory_space<hbm>>
          %dma_start3A_259 = tpu.memref_squeeze %dma_start3A_258 : memref<1x1x40xi32, #tpu.memory_space<hbm>> -> memref<40xi32, #tpu.memory_space<hbm>>
          %dma_start3A_260 = tpu.memref_slice %arg4[%scan3A_8, %dma_start3A_257, %add3A_251] : memref<3x2x320000xi32, #tpu.memory_space<hbm>> -> memref<1x1x40xi32, #tpu.memory_space<hbm>>
          %dma_start3A_261 = tpu.memref_squeeze %dma_start3A_260 : memref<1x1x40xi32, #tpu.memory_space<hbm>> -> memref<40xi32, #tpu.memory_space<hbm>>
          tpu.enqueue_dma source(%dma_start3A_261 : memref<40xi32, #tpu.memory_space<hbm>>) target(%arg9 : memref<40xi32, #tpu.memory_space<vmem>>) target_semaphore(%arg23 : memref<!tpu.dma_semaphore, #tpu.memory_space<semaphore_mem>>)
          %dma_start3A_262 = tpu.memref_slice %arg5[%scan3A_8, %add3A_251] : memref<3x320000xf32, #tpu.memory_space<hbm>> -> memref<1x40xf32, #tpu.memory_space<hbm>>
          %dma_start3A_263 = tpu.memref_squeeze %dma_start3A_262 : memref<1x40xf32, #tpu.memory_space<hbm>> -> memref<40xf32, #tpu.memory_space<hbm>>
          %dma_start3A_264 = tpu.memref_slice %arg5[%scan3A_8, %add3A_251] : memref<3x320000xf32, #tpu.memory_space<hbm>> -> memref<1x40xf32, #tpu.memory_space<hbm>>
          %dma_start3A_265 = tpu.memref_squeeze %dma_start3A_264 : memref<1x40xf32, #tpu.memory_space<hbm>> -> memref<40xf32, #tpu.memory_space<hbm>>
          tpu.enqueue_dma source(%dma_start3A_265 : memref<40xf32, #tpu.memory_space<hbm>>) target(%arg10 : memref<40xf32, #tpu.memory_space<vmem>>) target_semaphore(%arg23 : memref<!tpu.dma_semaphore, #tpu.memory_space<semaphore_mem>>)
        } else {
        }
        %mul3A_181 = arith.constant 2 : i32
        %mul3A_182 = arith.muli %mul3A_181, %scan3A_121 : i32
        %add3A_183 = arith.constant 1 : i32
        %add3A_184 = arith.addi %mul3A_182, %add3A_183 : i32
        %lt3A_185 = arith.constant 124 : i32
        %lt3A_186 = arith.cmpi slt, %scan3A_121, %lt3A_185 : i32
        %or3A_187 = arith.constant false
        %or3A_188 = arith.ori %or3A_187, %lt3A_186 : i1
        %convert_element_type3A_189 = arith.extui %or3A_188 : i1 to i32
        %cond3A_190 = arith.constant 0 : i32
        %cond3A_191 = arith.cmpi ne, %convert_element_type3A_189, %cond3A_190 : i32
        scf.if %cond3A_191 {
          %dma_wait3A_247 = arith.constant 0 : i32
          %dma_wait3A_248 = arith.constant 0 : i32
          %dma_wait3A_249 = arith.constant 0 : i32
          %dma_wait3A_250 = tpu.memref_slice %arg4[%dma_wait3A_247, %dma_wait3A_248, %dma_wait3A_249] : memref<3x2x320000xi32, #tpu.memory_space<hbm>> -> memref<1x1x40xi32, #tpu.memory_space<hbm>>
          %dma_wait3A_251 = tpu.memref_squeeze %dma_wait3A_250 : memref<1x1x40xi32, #tpu.memory_space<hbm>> -> memref<40xi32, #tpu.memory_space<hbm>>
          %dma_wait3A_252 = arith.constant 0 : i32
          %dma_wait3A_253 = tpu.memref_slice %arg4[%dma_wait3A_247, %dma_wait3A_248, %dma_wait3A_252] : memref<3x2x320000xi32, #tpu.memory_space<hbm>> -> memref<1x1x40xi32, #tpu.memory_space<hbm>>
          %dma_wait3A_254 = tpu.memref_squeeze %dma_wait3A_253 : memref<1x1x40xi32, #tpu.memory_space<hbm>> -> memref<40xi32, #tpu.memory_space<hbm>>
          tpu.wait_dma2 semaphore(%arg23 : memref<!tpu.dma_semaphore, #tpu.memory_space<semaphore_mem>>) src(%dma_wait3A_254 : memref<40xi32, #tpu.memory_space<hbm>>) dst(%arg8 : memref<40xi32, #tpu.memory_space<vmem>>)
          %dma_wait3A_255 = arith.constant 0 : i32
          %dma_wait3A_256 = arith.constant 1 : i32
          %dma_wait3A_257 = arith.constant 0 : i32
          %dma_wait3A_258 = tpu.memref_slice %arg4[%dma_wait3A_255, %dma_wait3A_256, %dma_wait3A_257] : memref<3x2x320000xi32, #tpu.memory_space<hbm>> -> memref<1x1x40xi32, #tpu.memory_space<hbm>>
          %dma_wait3A_259 = tpu.memref_squeeze %dma_wait3A_258 : memref<1x1x40xi32, #tpu.memory_space<hbm>> -> memref<40xi32, #tpu.memory_space<hbm>>
          %dma_wait3A_260 = arith.constant 0 : i32
          %dma_wait3A_261 = tpu.memref_slice %arg4[%dma_wait3A_255, %dma_wait3A_256, %dma_wait3A_260] : memref<3x2x320000xi32, #tpu.memory_space<hbm>> -> memref<1x1x40xi32, #tpu.memory_space<hbm>>
          %dma_wait3A_262 = tpu.memref_squeeze %dma_wait3A_261 : memref<1x1x40xi32, #tpu.memory_space<hbm>> -> memref<40xi32, #tpu.memory_space<hbm>>
          tpu.wait_dma2 semaphore(%arg23 : memref<!tpu.dma_semaphore, #tpu.memory_space<semaphore_mem>>) src(%dma_wait3A_262 : memref<40xi32, #tpu.memory_space<hbm>>) dst(%arg9 : memref<40xi32, #tpu.memory_space<vmem>>)
          %dma_wait3A_263 = arith.constant 0 : i32
          %dma_wait3A_264 = arith.constant 0 : i32
          %dma_wait3A_265 = tpu.memref_slice %arg5[%dma_wait3A_263, %dma_wait3A_264] : memref<3x320000xf32, #tpu.memory_space<hbm>> -> memref<1x40xf32, #tpu.memory_space<hbm>>
          %dma_wait3A_266 = tpu.memref_squeeze %dma_wait3A_265 : memref<1x40xf32, #tpu.memory_space<hbm>> -> memref<40xf32, #tpu.memory_space<hbm>>
          %dma_wait3A_267 = arith.constant 0 : i32
          %dma_wait3A_268 = tpu.memref_slice %arg5[%dma_wait3A_263, %dma_wait3A_267] : memref<3x320000xf32, #tpu.memory_space<hbm>> -> memref<1x40xf32, #tpu.memory_space<hbm>>
          %dma_wait3A_269 = tpu.memref_squeeze %dma_wait3A_268 : memref<1x40xf32, #tpu.memory_space<hbm>> -> memref<40xf32, #tpu.memory_space<hbm>>
          tpu.wait_dma2 semaphore(%arg23 : memref<!tpu.dma_semaphore, #tpu.memory_space<semaphore_mem>>) src(%dma_wait3A_269 : memref<40xf32, #tpu.memory_space<hbm>>) dst(%arg10 : memref<40xf32, #tpu.memory_space<vmem>>)
          %dma_start3A_270 = arith.constant 0 : i32
          %dma_start3A_271 = arith.constant 0 : i32
          %dma_start3A_272 = tpu.memref_slice %arg2[%scan3A_8, %dma_start3A_270, %dma_start3A_271] : memref<3x10000x144xf32, #tpu.memory_space<hbm>> -> memref<1x40x144xf32, #tpu.memory_space<hbm>>
          %dma_start3A_273 = tpu.memref_squeeze %dma_start3A_272 : memref<1x40x144xf32, #tpu.memory_space<hbm>> -> memref<40x144xf32, #tpu.memory_space<hbm>>
          %dma_start3A_274 = arith.constant 0 : i32
          %dma_start3A_275 = arith.constant 0 : i32
          %dma_start3A_276 = tpu.memref_slice %arg2[%scan3A_8, %dma_start3A_274, %dma_start3A_275] : memref<3x10000x144xf32, #tpu.memory_space<hbm>> -> memref<1x40x144xf32, #tpu.memory_space<hbm>>
          %dma_start3A_277 = tpu.memref_squeeze %dma_start3A_276 : memref<1x40x144xf32, #tpu.memory_space<hbm>> -> memref<40x144xf32, #tpu.memory_space<hbm>>
          tpu.enqueue_dma source(%dma_start3A_277 : memref<40x144xf32, #tpu.memory_space<hbm>>) target(%arg12 : memref<40x144xf32, #tpu.memory_space<vmem>>) target_semaphore(%arg25 : memref<!tpu.dma_semaphore, #tpu.memory_space<semaphore_mem>>)
          %dma_start3A_278 = arith.constant 0 : i32
          %dma_start3A_279 = arith.constant 0 : i32
          %dma_start3A_280 = tpu.memref_slice %arg3[%scan3A_8, %dma_start3A_278, %dma_start3A_279] : memref<3x10000x16xf32, #tpu.memory_space<hbm>> -> memref<1x40x16xf32, #tpu.memory_space<hbm>>
          %dma_start3A_281 = tpu.memref_squeeze %dma_start3A_280 : memref<1x40x16xf32, #tpu.memory_space<hbm>> -> memref<40x16xf32, #tpu.memory_space<hbm>>
          %dma_start3A_282 = arith.constant 0 : i32
          %dma_start3A_283 = arith.constant 0 : i32
          %dma_start3A_284 = tpu.memref_slice %arg3[%scan3A_8, %dma_start3A_282, %dma_start3A_283] : memref<3x10000x16xf32, #tpu.memory_space<hbm>> -> memref<1x40x16xf32, #tpu.memory_space<hbm>>
          %dma_start3A_285 = tpu.memref_squeeze %dma_start3A_284 : memref<1x40x16xf32, #tpu.memory_space<hbm>> -> memref<40x16xf32, #tpu.memory_space<hbm>>
          tpu.enqueue_dma source(%dma_start3A_285 : memref<40x16xf32, #tpu.memory_space<hbm>>) target(%arg13 : memref<40x16xf32, #tpu.memory_space<vmem>>) target_semaphore(%arg27 : memref<!tpu.dma_semaphore, #tpu.memory_space<semaphore_mem>>)
        } else {
        }
        %dma_wait3A_192 = arith.constant 0 : i32
        %dma_wait3A_193 = arith.constant 0 : i32
        %dma_wait3A_194 = arith.constant 0 : i32
        %dma_wait3A_195 = tpu.memref_slice %arg2[%dma_wait3A_192, %dma_wait3A_193, %dma_wait3A_194] : memref<3x10000x144xf32, #tpu.memory_space<hbm>> -> memref<1x40x144xf32, #tpu.memory_space<hbm>>
        %dma_wait3A_196 = tpu.memref_squeeze %dma_wait3A_195 : memref<1x40x144xf32, #tpu.memory_space<hbm>> -> memref<40x144xf32, #tpu.memory_space<hbm>>
        %dma_wait3A_197 = arith.constant 0 : i32
        %dma_wait3A_198 = arith.constant 0 : i32
        %dma_wait3A_199 = tpu.memref_slice %arg2[%dma_wait3A_192, %dma_wait3A_197, %dma_wait3A_198] : memref<3x10000x144xf32, #tpu.memory_space<hbm>> -> memref<1x40x144xf32, #tpu.memory_space<hbm>>
        %dma_wait3A_200 = tpu.memref_squeeze %dma_wait3A_199 : memref<1x40x144xf32, #tpu.memory_space<hbm>> -> memref<40x144xf32, #tpu.memory_space<hbm>>
        tpu.wait_dma2 semaphore(%arg26 : memref<!tpu.dma_semaphore, #tpu.memory_space<semaphore_mem>>) src(%dma_wait3A_200 : memref<40x144xf32, #tpu.memory_space<hbm>>) dst(%arg19 : memref<40x144xf32, #tpu.memory_space<vmem>>)
        %dma_wait3A_201 = arith.constant 0 : i32
        %dma_wait3A_202 = arith.constant 0 : i32
        %dma_wait3A_203 = arith.constant 0 : i32
        %dma_wait3A_204 = tpu.memref_slice %arg3[%dma_wait3A_201, %dma_wait3A_202, %dma_wait3A_203] : memref<3x10000x16xf32, #tpu.memory_space<hbm>> -> memref<1x40x16xf32, #tpu.memory_space<hbm>>
        %dma_wait3A_205 = tpu.memref_squeeze %dma_wait3A_204 : memref<1x40x16xf32, #tpu.memory_space<hbm>> -> memref<40x16xf32, #tpu.memory_space<hbm>>
        %dma_wait3A_206 = arith.constant 0 : i32
        %dma_wait3A_207 = arith.constant 0 : i32
        %dma_wait3A_208 = tpu.memref_slice %arg3[%dma_wait3A_201, %dma_wait3A_206, %dma_wait3A_207] : memref<3x10000x16xf32, #tpu.memory_space<hbm>> -> memref<1x40x16xf32, #tpu.memory_space<hbm>>
        %dma_wait3A_209 = tpu.memref_squeeze %dma_wait3A_208 : memref<1x40x16xf32, #tpu.memory_space<hbm>> -> memref<40x16xf32, #tpu.memory_space<hbm>>
        tpu.wait_dma2 semaphore(%arg28 : memref<!tpu.dma_semaphore, #tpu.memory_space<semaphore_mem>>) src(%dma_wait3A_209 : memref<40x16xf32, #tpu.memory_space<hbm>>) dst(%arg20 : memref<40x16xf32, #tpu.memory_space<vmem>>)
        %ge3A_210 = arith.constant 1 : i32
        %ge3A_211 = arith.cmpi sge, %scan3A_121, %ge3A_210 : i32
        %convert_element_type3A_212 = arith.extui %ge3A_211 : i1 to i32
        %cond3A_213 = arith.constant 0 : i32
        %cond3A_214 = arith.cmpi ne, %convert_element_type3A_212, %cond3A_213 : i32
        scf.if %cond3A_214 {
          %dma_wait3A_247 = arith.constant 0 : i32
          %dma_wait3A_248 = arith.constant 0 : i32
          %dma_wait3A_249 = tpu.memref_slice %arg22[%dma_wait3A_247, %dma_wait3A_248] : memref<10000x144xf32, #tpu.memory_space<vmem_shared>> -> memref<40x144xf32, #tpu.memory_space<vmem_shared>>
          %dma_wait3A_250 = arith.constant 0 : i32
          %dma_wait3A_251 = arith.constant 0 : i32
          %dma_wait3A_252 = tpu.memref_slice %arg22[%dma_wait3A_250, %dma_wait3A_251] : memref<10000x144xf32, #tpu.memory_space<vmem_shared>> -> memref<40x144xf32, #tpu.memory_space<vmem_shared>>
          tpu.wait_dma2 semaphore(%arg30 : memref<!tpu.dma_semaphore, #tpu.memory_space<semaphore_mem>>) src(%arg21 : memref<40x144xf32, #tpu.memory_space<vmem>>) dst(%dma_wait3A_252 : memref<40x144xf32, #tpu.memory_space<vmem_shared>>)
        } else {
        }
        %get3A_215 = arith.constant 0 : index
        %get3A_216 = tpu.vector_load %arg15[%get3A_215] {strides = array<i32>} : memref<40xi32, #tpu.memory_space<vmem>>, vector<16xi32>,
        %get3A_217 = vector.shape_cast %get3A_216 : vector<16xi32> to vector<16xi32>
        %swap3A_218 = arith.constant 0 : index
        %swap3A_219 = tpu.vector_load %arg18[%swap3A_218] {strides = array<i32>} : memref<40xi32, #tpu.memory_space<vmem>>, vector<16xi32>,
        %swap3A_220 = vector.shape_cast %swap3A_219 : vector<16xi32> to vector<16xi32>
        %swap3A_221 = vector.shape_cast %get3A_217 : vector<16xi32> to vector<16xi32>
        tpu.vector_store %arg18[%swap3A_218], %swap3A_221 {strides = array<i32>} : memref<40xi32, #tpu.memory_space<vmem>>, vector<16xi32>,
        %get3A_222 = arith.constant 16 : index
        %get3A_223 = tpu.vector_load %arg15[%get3A_222] {strides = array<i32>} : memref<40xi32, #tpu.memory_space<vmem>>, vector<16xi32>,
        %get3A_224 = vector.shape_cast %get3A_223 : vector<16xi32> to vector<16xi32>
        %swap3A_225 = arith.constant 16 : index
        %swap3A_226 = tpu.vector_load %arg18[%swap3A_225] {strides = array<i32>} : memref<40xi32, #tpu.memory_space<vmem>>, vector<16xi32>,
        %swap3A_227 = vector.shape_cast %swap3A_226 : vector<16xi32> to vector<16xi32>
        %swap3A_228 = vector.shape_cast %get3A_224 : vector<16xi32> to vector<16xi32>
        tpu.vector_store %arg18[%swap3A_225], %swap3A_228 {strides = array<i32>} : memref<40xi32, #tpu.memory_space<vmem>>, vector<16xi32>,
        %get3A_229 = arith.constant 24 : index
        %get3A_230 = tpu.vector_load %arg15[%get3A_229] {strides = array<i32>} : memref<40xi32, #tpu.memory_space<vmem>>, vector<16xi32>,
        %get3A_231 = vector.shape_cast %get3A_230 : vector<16xi32> to vector<16xi32>
        %swap3A_232 = arith.constant 24 : index
        %swap3A_233 = tpu.vector_load %arg18[%swap3A_232] {strides = array<i32>} : memref<40xi32, #tpu.memory_space<vmem>>, vector<16xi32>,
        %swap3A_234 = vector.shape_cast %swap3A_233 : vector<16xi32> to vector<16xi32>
        %swap3A_235 = vector.shape_cast %get3A_231 : vector<16xi32> to vector<16xi32>
        tpu.vector_store %arg18[%swap3A_232], %swap3A_235 {strides = array<i32>} : memref<40xi32, #tpu.memory_space<vmem>>, vector<16xi32>,
        %dma_start3A_236 = arith.constant 0 : i32
        %dma_start3A_237 = arith.constant 0 : i32
        %dma_start3A_238 = tpu.memref_slice %arg22[%dma_start3A_236, %dma_start3A_237] : memref<10000x144xf32, #tpu.memory_space<vmem_shared>> -> memref<40x144xf32, #tpu.memory_space<vmem_shared>>
        %dma_start3A_239 = arith.constant 0 : i32
        %dma_start3A_240 = arith.constant 0 : i32
        %dma_start3A_241 = tpu.memref_slice %arg22[%dma_start3A_239, %dma_start3A_240] : memref<10000x144xf32, #tpu.memory_space<vmem_shared>> -> memref<40x144xf32, #tpu.memory_space<vmem_shared>>
        tpu.enqueue_dma source(%arg21 : memref<40x144xf32, #tpu.memory_space<vmem>>) target(%dma_start3A_241 : memref<40x144xf32, #tpu.memory_space<vmem_shared>>) target_semaphore(%arg30 : memref<!tpu.dma_semaphore, #tpu.memory_space<semaphore_mem>>)
        %lt3A_242 = arith.constant 124 : i32
        %lt3A_243 = arith.cmpi slt, %scan3A_121, %lt3A_242 : i32
        %convert_element_type3A_244 = arith.extui %lt3A_243 : i1 to i32
        %cond3A_245 = arith.constant 0 : i32
        %cond3A_246 = arith.cmpi ne, %convert_element_type3A_244, %cond3A_245 : i32
        scf.if %cond3A_246 {
          %add3A_247 = arith.constant 2 : i32
          %add3A_248 = arith.addi %add3A_184, %add3A_247 : i32
          %mul3A_249 = arith.constant 40 : i32
          %mul3A_250 = arith.muli %add3A_248, %mul3A_249 : i32
          %add3A_251 = arith.addi %mul3A_2, %mul3A_250 : i32
          %dma_start3A_252 = arith.constant 0 : i32
          %dma_start3A_253 = tpu.memref_slice %arg4[%scan3A_8, %dma_start3A_252, %add3A_251] : memref<3x2x320000xi32, #tpu.memory_space<hbm>> -> memref<1x1x40xi32, #tpu.memory_space<hbm>>
          %dma_start3A_254 = tpu.memref_squeeze %dma_start3A_253 : memref<1x1x40xi32, #tpu.memory_space<hbm>> -> memref<40xi32, #tpu.memory_space<hbm>>
          %dma_start3A_255 = tpu.memref_slice %arg4[%scan3A_8, %dma_start3A_252, %add3A_251] : memref<3x2x320000xi32, #tpu.memory_space<hbm>> -> memref<1x1x40xi32, #tpu.memory_space<hbm>>
          %dma_start3A_256 = tpu.memref_squeeze %dma_start3A_255 : memref<1x1x40xi32, #tpu.memory_space<hbm>> -> memref<40xi32, #tpu.memory_space<hbm>>
          tpu.enqueue_dma source(%dma_start3A_256 : memref<40xi32, #tpu.memory_space<hbm>>) target(%arg15 : memref<40xi32, #tpu.memory_space<vmem>>) target_semaphore(%arg24 : memref<!tpu.dma_semaphore, #tpu.memory_space<semaphore_mem>>)
          %dma_start3A_257 = arith.constant 1 : i32
          %dma_start3A_258 = tpu.memref_slice %arg4[%scan3A_8, %dma_start3A_257, %add3A_251] : memref<3x2x320000xi32, #tpu.memory_space<hbm>> -> memref<1x1x40xi32, #tpu.memory_space<hbm>>
          %dma_start3A_259 = tpu.memref_squeeze %dma_start3A_258 : memref<1x1x40xi32, #tpu.memory_space<hbm>> -> memref<40xi32, #tpu.memory_space<hbm>>
          %dma_start3A_260 = tpu.memref_slice %arg4[%scan3A_8, %dma_start3A_257, %add3A_251] : memref<3x2x320000xi32, #tpu.memory_space<hbm>> -> memref<1x1x40xi32, #tpu.memory_space<hbm>>
          %dma_start3A_261 = tpu.memref_squeeze %dma_start3A_260 : memref<1x1x40xi32, #tpu.memory_space<hbm>> -> memref<40xi32, #tpu.memory_space<hbm>>
          tpu.enqueue_dma source(%dma_start3A_261 : memref<40xi32, #tpu.memory_space<hbm>>) target(%arg16 : memref<40xi32, #tpu.memory_space<vmem>>) target_semaphore(%arg24 : memref<!tpu.dma_semaphore, #tpu.memory_space<semaphore_mem>>)
          %dma_start3A_262 = tpu.memref_slice %arg5[%scan3A_8, %add3A_251] : memref<3x320000xf32, #tpu.memory_space<hbm>> -> memref<1x40xf32, #tpu.memory_space<hbm>>
          %dma_start3A_263 = tpu.memref_squeeze %dma_start3A_262 : memref<1x40xf32, #tpu.memory_space<hbm>> -> memref<40xf32, #tpu.memory_space<hbm>>
          %dma_start3A_264 = tpu.memref_slice %arg5[%scan3A_8, %add3A_251] : memref<3x320000xf32, #tpu.memory_space<hbm>> -> memref<1x40xf32, #tpu.memory_space<hbm>>
          %dma_start3A_265 = tpu.memref_squeeze %dma_start3A_264 : memref<1x40xf32, #tpu.memory_space<hbm>> -> memref<40xf32, #tpu.memory_space<hbm>>
          tpu.enqueue_dma source(%dma_start3A_265 : memref<40xf32, #tpu.memory_space<hbm>>) target(%arg17 : memref<40xf32, #tpu.memory_space<vmem>>) target_semaphore(%arg24 : memref<!tpu.dma_semaphore, #tpu.memory_space<semaphore_mem>>)
        } else {
        }
      }
      %scan3A_103 = arith.constant 125 : i32
      %dma_wait3A_104 = arith.constant 0 : i32
      %dma_wait3A_105 = arith.constant 0 : i32
      %dma_wait3A_106 = tpu.memref_slice %arg22[%dma_wait3A_104, %dma_wait3A_105] : memref<10000x144xf32, #tpu.memory_space<vmem_shared>> -> memref<40x144xf32, #tpu.memory_space<vmem_shared>>
      %dma_wait3A_107 = arith.constant 0 : i32
      %dma_wait3A_108 = arith.constant 0 : i32
      %dma_wait3A_109 = tpu.memref_slice %arg22[%dma_wait3A_107, %dma_wait3A_108] : memref<10000x144xf32, #tpu.memory_space<vmem_shared>> -> memref<40x144xf32, #tpu.memory_space<vmem_shared>>
      tpu.wait_dma2 semaphore(%arg29 : memref<!tpu.dma_semaphore, #tpu.memory_space<semaphore_mem>>) src(%arg14 : memref<40x144xf32, #tpu.memory_space<vmem>>) dst(%dma_wait3A_109 : memref<40x144xf32, #tpu.memory_space<vmem_shared>>)
      %dma_wait3A_110 = arith.constant 0 : i32
      %dma_wait3A_111 = arith.constant 0 : i32
      %dma_wait3A_112 = tpu.memref_slice %arg22[%dma_wait3A_110, %dma_wait3A_111] : memref<10000x144xf32, #tpu.memory_space<vmem_shared>> -> memref<40x144xf32, #tpu.memory_space<vmem_shared>>
      %dma_wait3A_113 = arith.constant 0 : i32
      %dma_wait3A_114 = arith.constant 0 : i32
      %dma_wait3A_115 = tpu.memref_slice %arg22[%dma_wait3A_113, %dma_wait3A_114] : memref<10000x144xf32, #tpu.memory_space<vmem_shared>> -> memref<40x144xf32, #tpu.memory_space<vmem_shared>>
      tpu.wait_dma2 semaphore(%arg30 : memref<!tpu.dma_semaphore, #tpu.memory_space<semaphore_mem>>) src(%arg21 : memref<40x144xf32, #tpu.memory_space<vmem>>) dst(%dma_wait3A_115 : memref<40x144xf32, #tpu.memory_space<vmem_shared>>)
      %barrier3A_116 = arith.constant 0 : index
      tpu.barrier barrier_id(%barrier3A_116)
      %mul3A_117 = arith.constant 625 : i32
      %mul3A_118 = arith.muli %arg1, %mul3A_117 : i32
      %mul3A_119 = arith.constant 625 : i32
      %mul3A_120 = arith.muli %arg1, %mul3A_119 : i32
      "tpu.region"() ({
        %run_scoped3A = tpu.sem_alloc : memref<!tpu.dma_semaphore, #tpu.memory_space<semaphore_mem>>
        %dma_start3A_121 = arith.constant 0 : i32
        %dma_start3A_122 = tpu.memref_slice %arg7[%scan3A_8, %arg0, %mul3A_120, %dma_start3A_121] : memref<3x2x10000x144xf32, #tpu.memory_space<hbm>> -> memref<1x1x625x144xf32, #tpu.memory_space<hbm>>
        %dma_start3A_123 = tpu.memref_squeeze %dma_start3A_122 : memref<1x1x625x144xf32, #tpu.memory_space<hbm>> -> memref<625x144xf32, #tpu.memory_space<hbm>>
        %dma_start3A_124 = arith.constant 0 : i32
        %dma_start3A_125 = tpu.memref_slice %arg22[%mul3A_118, %dma_start3A_124] : memref<10000x144xf32, #tpu.memory_space<vmem_shared>> -> memref<625x144xf32, #tpu.memory_space<vmem_shared>>
        tpu.enqueue_dma source(%dma_start3A_125 : memref<625x144xf32, #tpu.memory_space<vmem_shared>>) target(%dma_start3A_123 : memref<625x144xf32, #tpu.memory_space<hbm>>) target_semaphore(%run_scoped3A : memref<!tpu.dma_semaphore, #tpu.memory_space<semaphore_mem>>)
        %dma_wait3A_126 = arith.constant 0 : i32
        %dma_wait3A_127 = tpu.memref_slice %arg7[%scan3A_8, %arg0, %mul3A_120, %dma_wait3A_126] : memref<3x2x10000x144xf32, #tpu.memory_space<hbm>> -> memref<1x1x625x144xf32, #tpu.memory_space<hbm>>
        %dma_wait3A_128 = tpu.memref_squeeze %dma_wait3A_127 : memref<1x1x625x144xf32, #tpu.memory_space<hbm>> -> memref<625x144xf32, #tpu.memory_space<hbm>>
        %dma_wait3A_129 = arith.constant 0 : i32
        %dma_wait3A_130 = tpu.memref_slice %arg22[%mul3A_118, %dma_wait3A_129] : memref<10000x144xf32, #tpu.memory_space<vmem_shared>> -> memref<625x144xf32, #tpu.memory_space<vmem_shared>>
        tpu.wait_dma2 semaphore(%run_scoped3A : memref<!tpu.dma_semaphore, #tpu.memory_space<semaphore_mem>>) src(%dma_wait3A_130 : memref<625x144xf32, #tpu.memory_space<vmem_shared>>) dst(%dma_wait3A_128 : memref<625x144xf32, #tpu.memory_space<hbm>>)
        tpu.yield
      }) : () -> ()
    }
    %scan3A_7 = arith.constant 3 : i32
    return
  }
}

module attributes {stable_mosaic.version = 14 : i64} {
  func.func @_pre_body(%arg0: i32, %arg1: i32, %arg2: memref<1x1000x128xf32, #tpu.memory_space<vmem>>, %arg3: memref<128x128xf32, #tpu.memory_space<vmem>>, %arg4: memref<128x16xf32, #tpu.memory_space<vmem>>, %arg5: memref<128x16xf32, #tpu.memory_space<vmem>>, %arg6: memref<1x1000x144xf32, #tpu.memory_space<vmem>>, %arg7: memref<1x1000x16xf32, #tpu.memory_space<vmem>>) attributes {dimension_semantics = [#tpu.dimension_semantics<arbitrary>, #tpu.dimension_semantics<arbitrary>], iteration_bounds = array<i64: 3, 10>, scalar_prefetch = 0 : i64, scratch_operands = 0 : i64, tpu.core_type = #tpu.core_type<tc>, window_params = [{transform_indices = @transform_0, window_bounds = array<i64: 1, 1000, 128>}, {pipeline_mode = #tpu.pipeline_mode<synchronous>, transform_indices = @transform_1, window_bounds = array<i64: 128, 128>}, {pipeline_mode = #tpu.pipeline_mode<synchronous>, transform_indices = @transform_2, window_bounds = array<i64: 128, 16>}, {pipeline_mode = #tpu.pipeline_mode<synchronous>, transform_indices = @transform_3, window_bounds = array<i64: 128, 16>}, {transform_indices = @transform_4, window_bounds = array<i64: 1, 1000, 144>}, {transform_indices = @transform_5, window_bounds = array<i64: 1, 1000, 16>}]} {
    %get3A = arith.constant 0 : index
    %get3A_0 = arith.constant 0 : index
    %get3A_1 = arith.constant 0 : index
    %get3A_2 = vector.load %arg2[%get3A, %get3A_0, %get3A_1] : memref<1x1000x128xf32, #tpu.memory_space<vmem>>, vector<1x1000x128xf32>
    %get3A_3 = vector.shape_cast %get3A_2 : vector<1x1000x128xf32> to vector<1000x128xf32>
    %get3A_4 = arith.constant 0 : index
    %get3A_5 = arith.constant 0 : index
    %get3A_6 = vector.load %arg3[%get3A_4, %get3A_5] : memref<128x128xf32, #tpu.memory_space<vmem>>, vector<128x128xf32>
    %dot_general3A = arith.constant dense<0.000000e+00> : vector<1000x128xf32>
    %dot_general3A_7 = tpu.matmul %get3A_3, %get3A_6, %dot_general3A {dimension_numbers = #tpu.dot_dimension_numbers<[1], [0], [0], [1], [0, 0, 1, 1], [], []>, transpose_lhs_hint = false} : vector<1000x128xf32>, vector<128x128xf32>, vector<1000x128xf32> -> vector<1000x128xf32>
    %swap3A = arith.constant 0 : index
    %swap3A_8 = arith.constant 0 : index
    %swap3A_9 = arith.constant 0 : index
    %swap3A_10 = vector.load %arg6[%swap3A, %swap3A_8, %swap3A_9] : memref<1x1000x144xf32, #tpu.memory_space<vmem>>, vector<1x1000x128xf32>
    %swap3A_11 = vector.shape_cast %swap3A_10 : vector<1x1000x128xf32> to vector<1000x128xf32>
    %swap3A_12 = vector.shape_cast %dot_general3A_7 : vector<1000x128xf32> to vector<1x1000x128xf32>
    tpu.vector_store %arg6[%swap3A, %swap3A_8, %swap3A_9], %swap3A_12 {strides = array<i32>} : memref<1x1000x144xf32, #tpu.memory_space<vmem>>, vector<1x1000x128xf32>,
    %get3A_13 = arith.constant 0 : index
    %get3A_14 = arith.constant 0 : index
    %get3A_15 = vector.load %arg5[%get3A_13, %get3A_14] : memref<128x16xf32, #tpu.memory_space<vmem>>, vector<128x16xf32>
    %dot_general3A_16 = arith.constant dense<0.000000e+00> : vector<1000x16xf32>
    %dot_general3A_17 = tpu.matmul %dot_general3A_7, %get3A_15, %dot_general3A_16 {dimension_numbers = #tpu.dot_dimension_numbers<[1], [0], [0], [1], [0, 0, 1, 1], [], []>, transpose_lhs_hint = false} : vector<1000x128xf32>, vector<128x16xf32>, vector<1000x16xf32> -> vector<1000x16xf32>
    %swap3A_18 = arith.constant 0 : index
    %swap3A_19 = arith.constant 0 : index
    %swap3A_20 = arith.constant 128 : index
    %swap3A_21 = vector.load %arg6[%swap3A_18, %swap3A_19, %swap3A_20] : memref<1x1000x144xf32, #tpu.memory_space<vmem>>, vector<1x1000x16xf32>
    %swap3A_22 = vector.shape_cast %swap3A_21 : vector<1x1000x16xf32> to vector<1000x16xf32>
    %swap3A_23 = vector.shape_cast %dot_general3A_17 : vector<1000x16xf32> to vector<1x1000x16xf32>
    tpu.vector_store %arg6[%swap3A_18, %swap3A_19, %swap3A_20], %swap3A_23 {strides = array<i32>} : memref<1x1000x144xf32, #tpu.memory_space<vmem>>, vector<1x1000x16xf32>,
    %get3A_24 = arith.constant 0 : index
    %get3A_25 = arith.constant 0 : index
    %get3A_26 = vector.load %arg4[%get3A_24, %get3A_25] : memref<128x16xf32, #tpu.memory_space<vmem>>, vector<128x16xf32>
    %dot_general3A_27 = arith.constant dense<0.000000e+00> : vector<1000x16xf32>
    %dot_general3A_28 = tpu.matmul %dot_general3A_7, %get3A_26, %dot_general3A_27 {dimension_numbers = #tpu.dot_dimension_numbers<[1], [0], [0], [1], [0, 0, 1, 1], [], []>, transpose_lhs_hint = false} : vector<1000x128xf32>, vector<128x16xf32>, vector<1000x16xf32> -> vector<1000x16xf32>
    %swap3A_29 = arith.constant 0 : index
    %swap3A_30 = arith.constant 0 : index
    %swap3A_31 = arith.constant 0 : index
    %swap3A_32 = vector.load %arg7[%swap3A_29, %swap3A_30, %swap3A_31] : memref<1x1000x16xf32, #tpu.memory_space<vmem>>, vector<1x1000x16xf32>
    %swap3A_33 = vector.shape_cast %swap3A_32 : vector<1x1000x16xf32> to vector<1000x16xf32>
    %swap3A_34 = vector.shape_cast %dot_general3A_28 : vector<1000x16xf32> to vector<1x1000x16xf32>
    tpu.vector_store %arg7[%swap3A_29, %swap3A_30, %swap3A_31], %swap3A_34 {strides = array<i32>} : memref<1x1000x16xf32, #tpu.memory_space<vmem>>, vector<1x1000x16xf32>,
    return
  }
  func.func @transform_0(%arg0: i32, %arg1: i32) -> (i32, i32, i32) {
    %c0_i32 = arith.constant 0 : i32
    %c0_i32_0 = arith.constant 0 : i32
    return %arg0, %arg1, %c0_i32 : i32, i32, i32
  }
  func.func @transform_1(%arg0: i32, %arg1: i32) -> (i32, i32) {
    %c0_i32 = arith.constant 0 : i32
    %c0_i32_0 = arith.constant 0 : i32
    %c0_i32_1 = arith.constant 0 : i32
    return %c0_i32, %c0_i32_0 : i32, i32
  }
  func.func @transform_2(%arg0: i32, %arg1: i32) -> (i32, i32) {
    %c0_i32 = arith.constant 0 : i32
    %c0_i32_0 = arith.constant 0 : i32
    %c0_i32_1 = arith.constant 0 : i32
    return %c0_i32, %c0_i32_0 : i32, i32
  }
  func.func @transform_3(%arg0: i32, %arg1: i32) -> (i32, i32) {
    %c0_i32 = arith.constant 0 : i32
    %c0_i32_0 = arith.constant 0 : i32
    %c0_i32_1 = arith.constant 0 : i32
    return %c0_i32, %c0_i32_0 : i32, i32
  }
  func.func @transform_4(%arg0: i32, %arg1: i32) -> (i32, i32, i32) {
    %c0_i32 = arith.constant 0 : i32
    %c0_i32_0 = arith.constant 0 : i32
    return %arg0, %arg1, %c0_i32 : i32, i32, i32
  }
  func.func @transform_5(%arg0: i32, %arg1: i32) -> (i32, i32, i32) {
    %c0_i32 = arith.constant 0 : i32
    %c0_i32_0 = arith.constant 0 : i32
    return %arg0, %arg1, %c0_i32 : i32, i32, i32
  }
}

module attributes {stable_mosaic.version = 14 : i64} {
  func.func @_post_body(%arg0: i32, %arg1: memref<3x2x1000x144xf32, #tpu.memory_space<vmem>>, %arg2: memref<128x128xf32, #tpu.memory_space<vmem>>, %arg3: memref<128x128xf32, #tpu.memory_space<vmem>>, %arg4: memref<128x128xf32, #tpu.memory_space<vmem>>, %arg5: memref<3x128xf32, #tpu.memory_space<vmem>>, %arg6: memref<128x8xf32, #tpu.memory_space<vmem>>, %arg7: memref<8x128xf32, #tpu.memory_space<vmem>>, %arg8: memref<1000x3x128xf32, #tpu.memory_space<vmem>>) attributes {dimension_semantics = [#tpu.dimension_semantics<arbitrary>], iteration_bounds = array<i64: 10>, scalar_prefetch = 0 : i64, scratch_operands = 0 : i64, tpu.core_type = #tpu.core_type<tc>, window_params = [{transform_indices = @transform_0, window_bounds = array<i64: 3, 2, 1000, 144>}, {pipeline_mode = #tpu.pipeline_mode<synchronous>, transform_indices = @transform_1, window_bounds = array<i64: 128, 128>}, {pipeline_mode = #tpu.pipeline_mode<synchronous>, transform_indices = @transform_2, window_bounds = array<i64: 128, 128>}, {pipeline_mode = #tpu.pipeline_mode<synchronous>, transform_indices = @transform_3, window_bounds = array<i64: 128, 128>}, {pipeline_mode = #tpu.pipeline_mode<synchronous>, transform_indices = @transform_4, window_bounds = array<i64: 3, 128>}, {pipeline_mode = #tpu.pipeline_mode<synchronous>, transform_indices = @transform_5, window_bounds = array<i64: 128, 8>}, {pipeline_mode = #tpu.pipeline_mode<synchronous>, transform_indices = @transform_6, window_bounds = array<i64: 8, 128>}, {transform_indices = @transform_7, window_bounds = array<i64: 1000, 3, 128>}]} {
    %get3A = arith.constant 0 : index
    %get3A_0 = arith.constant 0 : index
    %get3A_1 = arith.constant 0 : index
    %get3A_2 = arith.constant 0 : index
    %get3A_3 = vector.load %arg1[%get3A, %get3A_0, %get3A_1, %get3A_2] : memref<3x2x1000x144xf32, #tpu.memory_space<vmem>>, vector<1x1x1000x144xf32>
    %get3A_4 = vector.shape_cast %get3A_3 : vector<1x1x1000x144xf32> to vector<1000x144xf32>
    %get3A_5 = arith.constant 0 : index
    %get3A_6 = arith.constant 1 : index
    %get3A_7 = arith.constant 0 : index
    %get3A_8 = arith.constant 0 : index
    %get3A_9 = vector.load %arg1[%get3A_5, %get3A_6, %get3A_7, %get3A_8] : memref<3x2x1000x144xf32, #tpu.memory_space<vmem>>, vector<1x1x1000x144xf32>
    %get3A_10 = vector.shape_cast %get3A_9 : vector<1x1x1000x144xf32> to vector<1000x144xf32>
    %add3A = arith.addf %get3A_4, %get3A_10 : vector<1000x144xf32>
    %slice3A = vector.extract_strided_slice %add3A {offsets = [0, 0], sizes = [1000, 128], strides = [1, 1]} : vector<1000x144xf32> to vector<1000x128xf32>
    %slice3A_11 = vector.extract_strided_slice %add3A {offsets = [0, 128], sizes = [1000, 8], strides = [1, 1]} : vector<1000x144xf32> to vector<1000x8xf32>
    %get3A_12 = arith.constant 0 : index
    %get3A_13 = arith.constant 0 : index
    %get3A_14 = vector.load %arg7[%get3A_12, %get3A_13] : memref<8x128xf32, #tpu.memory_space<vmem>>, vector<8x128xf32>
    %dot_general3A = arith.constant dense<0.000000e+00> : vector<1000x128xf32>
    %dot_general3A_15 = tpu.matmul %slice3A_11, %get3A_14, %dot_general3A {dimension_numbers = #tpu.dot_dimension_numbers<[1], [0], [0], [1], [0, 0, 1, 1], [], []>, transpose_lhs_hint = false} : vector<1000x8xf32>, vector<8x128xf32>, vector<1000x128xf32> -> vector<1000x128xf32>
    %div3A = arith.divf %slice3A, %dot_general3A_15 : vector<1000x128xf32>
    %gt3A = arith.constant 0.000000e+00 : f32
    %gt3A_16 = vector.broadcast %gt3A : f32 to vector<1000x128xf32>
    %gt3A_17 = arith.cmpf ogt, %div3A, %gt3A_16 : vector<1000x128xf32>
    %exp3A = math.exp %div3A : vector<1000x128xf32>
    %sub3A = arith.constant 1.000000e+00 : f32
    %sub3A_18 = vector.broadcast %sub3A : f32 to vector<1000x128xf32>
    %sub3A_19 = arith.subf %exp3A, %sub3A_18 : vector<1000x128xf32>
    %select_n3A = arith.select %gt3A_17, %div3A, %sub3A_19 : vector<1000x128xi1>, vector<1000x128xf32>
    %get3A_20 = arith.constant 0 : index
    %get3A_21 = arith.constant 0 : index
    %get3A_22 = vector.load %arg5[%get3A_20, %get3A_21] : memref<3x128xf32, #tpu.memory_space<vmem>>, vector<1x128xf32>
    %get3A_23 = vector.shape_cast %get3A_22 : vector<1x128xf32> to vector<128xf32>
    %broadcast_in_dim3A = vector.shape_cast %get3A_23 : vector<128xf32> to vector<1x128xf32>
    %add3A_24 = vector.broadcast %broadcast_in_dim3A : vector<1x128xf32> to vector<1000x128xf32>
    %add3A_25 = arith.addf %select_n3A, %add3A_24 : vector<1000x128xf32>
    %get3A_26 = arith.constant 1 : index
    %get3A_27 = arith.constant 0 : index
    %get3A_28 = arith.constant 0 : index
    %get3A_29 = arith.constant 0 : index
    %get3A_30 = vector.load %arg1[%get3A_26, %get3A_27, %get3A_28, %get3A_29] : memref<3x2x1000x144xf32, #tpu.memory_space<vmem>>, vector<1x1x1000x144xf32>
    %get3A_31 = vector.shape_cast %get3A_30 : vector<1x1x1000x144xf32> to vector<1000x144xf32>
    %get3A_32 = arith.constant 1 : index
    %get3A_33 = arith.constant 1 : index
    %get3A_34 = arith.constant 0 : index
    %get3A_35 = arith.constant 0 : index
    %get3A_36 = vector.load %arg1[%get3A_32, %get3A_33, %get3A_34, %get3A_35] : memref<3x2x1000x144xf32, #tpu.memory_space<vmem>>, vector<1x1x1000x144xf32>
    %get3A_37 = vector.shape_cast %get3A_36 : vector<1x1x1000x144xf32> to vector<1000x144xf32>
    %add3A_38 = arith.addf %get3A_31, %get3A_37 : vector<1000x144xf32>
    %slice3A_39 = vector.extract_strided_slice %add3A_38 {offsets = [0, 0], sizes = [1000, 128], strides = [1, 1]} : vector<1000x144xf32> to vector<1000x128xf32>
    %slice3A_40 = vector.extract_strided_slice %add3A_38 {offsets = [0, 128], sizes = [1000, 8], strides = [1, 1]} : vector<1000x144xf32> to vector<1000x8xf32>
    %get3A_41 = arith.constant 0 : index
    %get3A_42 = arith.constant 0 : index
    %get3A_43 = vector.load %arg7[%get3A_41, %get3A_42] : memref<8x128xf32, #tpu.memory_space<vmem>>, vector<8x128xf32>
    %dot_general3A_44 = arith.constant dense<0.000000e+00> : vector<1000x128xf32>
    %dot_general3A_45 = tpu.matmul %slice3A_40, %get3A_43, %dot_general3A_44 {dimension_numbers = #tpu.dot_dimension_numbers<[1], [0], [0], [1], [0, 0, 1, 1], [], []>, transpose_lhs_hint = false} : vector<1000x8xf32>, vector<8x128xf32>, vector<1000x128xf32> -> vector<1000x128xf32>
    %div3A_46 = arith.divf %slice3A_39, %dot_general3A_45 : vector<1000x128xf32>
    %gt3A_47 = arith.constant 0.000000e+00 : f32
    %gt3A_48 = vector.broadcast %gt3A_47 : f32 to vector<1000x128xf32>
    %gt3A_49 = arith.cmpf ogt, %div3A_46, %gt3A_48 : vector<1000x128xf32>
    %exp3A_50 = math.exp %div3A_46 : vector<1000x128xf32>
    %sub3A_51 = arith.constant 1.000000e+00 : f32
    %sub3A_52 = vector.broadcast %sub3A_51 : f32 to vector<1000x128xf32>
    %sub3A_53 = arith.subf %exp3A_50, %sub3A_52 : vector<1000x128xf32>
    %select_n3A_54 = arith.select %gt3A_49, %div3A_46, %sub3A_53 : vector<1000x128xi1>, vector<1000x128xf32>
    %get3A_55 = arith.constant 1 : index
    %get3A_56 = arith.constant 0 : index
    %get3A_57 = vector.load %arg5[%get3A_55, %get3A_56] : memref<3x128xf32, #tpu.memory_space<vmem>>, vector<1x128xf32>
    %get3A_58 = vector.shape_cast %get3A_57 : vector<1x128xf32> to vector<128xf32>
    %broadcast_in_dim3A_59 = vector.shape_cast %get3A_58 : vector<128xf32> to vector<1x128xf32>
    %add3A_60 = vector.broadcast %broadcast_in_dim3A_59 : vector<1x128xf32> to vector<1000x128xf32>
    %add3A_61 = arith.addf %select_n3A_54, %add3A_60 : vector<1000x128xf32>
    %get3A_62 = arith.constant 2 : index
    %get3A_63 = arith.constant 0 : index
    %get3A_64 = arith.constant 0 : index
    %get3A_65 = arith.constant 0 : index
    %get3A_66 = vector.load %arg1[%get3A_62, %get3A_63, %get3A_64, %get3A_65] : memref<3x2x1000x144xf32, #tpu.memory_space<vmem>>, vector<1x1x1000x144xf32>
    %get3A_67 = vector.shape_cast %get3A_66 : vector<1x1x1000x144xf32> to vector<1000x144xf32>
    %get3A_68 = arith.constant 2 : index
    %get3A_69 = arith.constant 1 : index
    %get3A_70 = arith.constant 0 : index
    %get3A_71 = arith.constant 0 : index
    %get3A_72 = vector.load %arg1[%get3A_68, %get3A_69, %get3A_70, %get3A_71] : memref<3x2x1000x144xf32, #tpu.memory_space<vmem>>, vector<1x1x1000x144xf32>
    %get3A_73 = vector.shape_cast %get3A_72 : vector<1x1x1000x144xf32> to vector<1000x144xf32>
    %add3A_74 = arith.addf %get3A_67, %get3A_73 : vector<1000x144xf32>
    %slice3A_75 = vector.extract_strided_slice %add3A_74 {offsets = [0, 0], sizes = [1000, 128], strides = [1, 1]} : vector<1000x144xf32> to vector<1000x128xf32>
    %slice3A_76 = vector.extract_strided_slice %add3A_74 {offsets = [0, 128], sizes = [1000, 8], strides = [1, 1]} : vector<1000x144xf32> to vector<1000x8xf32>
    %get3A_77 = arith.constant 0 : index
    %get3A_78 = arith.constant 0 : index
    %get3A_79 = vector.load %arg7[%get3A_77, %get3A_78] : memref<8x128xf32, #tpu.memory_space<vmem>>, vector<8x128xf32>
    %dot_general3A_80 = arith.constant dense<0.000000e+00> : vector<1000x128xf32>
    %dot_general3A_81 = tpu.matmul %slice3A_76, %get3A_79, %dot_general3A_80 {dimension_numbers = #tpu.dot_dimension_numbers<[1], [0], [0], [1], [0, 0, 1, 1], [], []>, transpose_lhs_hint = false} : vector<1000x8xf32>, vector<8x128xf32>, vector<1000x128xf32> -> vector<1000x128xf32>
    %div3A_82 = arith.divf %slice3A_75, %dot_general3A_81 : vector<1000x128xf32>
    %gt3A_83 = arith.constant 0.000000e+00 : f32
    %gt3A_84 = vector.broadcast %gt3A_83 : f32 to vector<1000x128xf32>
    %gt3A_85 = arith.cmpf ogt, %div3A_82, %gt3A_84 : vector<1000x128xf32>
    %exp3A_86 = math.exp %div3A_82 : vector<1000x128xf32>
    %sub3A_87 = arith.constant 1.000000e+00 : f32
    %sub3A_88 = vector.broadcast %sub3A_87 : f32 to vector<1000x128xf32>
    %sub3A_89 = arith.subf %exp3A_86, %sub3A_88 : vector<1000x128xf32>
    %select_n3A_90 = arith.select %gt3A_85, %div3A_82, %sub3A_89 : vector<1000x128xi1>, vector<1000x128xf32>
    %get3A_91 = arith.constant 2 : index
    %get3A_92 = arith.constant 0 : index
    %get3A_93 = vector.load %arg5[%get3A_91, %get3A_92] : memref<3x128xf32, #tpu.memory_space<vmem>>, vector<1x128xf32>
    %get3A_94 = vector.shape_cast %get3A_93 : vector<1x128xf32> to vector<128xf32>
    %broadcast_in_dim3A_95 = vector.shape_cast %get3A_94 : vector<128xf32> to vector<1x128xf32>
    %add3A_96 = vector.broadcast %broadcast_in_dim3A_95 : vector<1x128xf32> to vector<1000x128xf32>
    %add3A_97 = arith.addf %select_n3A_90, %add3A_96 : vector<1000x128xf32>
    %get3A_98 = arith.constant 0 : index
    %get3A_99 = arith.constant 0 : index
    %get3A_100 = vector.load %arg2[%get3A_98, %get3A_99] : memref<128x128xf32, #tpu.memory_space<vmem>>, vector<128x128xf32>
    %dot_general3A_101 = arith.constant dense<0.000000e+00> : vector<1000x128xf32>
    %dot_general3A_102 = tpu.matmul %add3A_61, %get3A_100, %dot_general3A_101 {dimension_numbers = #tpu.dot_dimension_numbers<[1], [0], [0], [1], [0, 0, 1, 1], [], []>, transpose_lhs_hint = false} : vector<1000x128xf32>, vector<128x128xf32>, vector<1000x128xf32> -> vector<1000x128xf32>
    %get3A_103 = arith.constant 0 : index
    %get3A_104 = arith.constant 0 : index
    %get3A_105 = vector.load %arg2[%get3A_103, %get3A_104] : memref<128x128xf32, #tpu.memory_space<vmem>>, vector<128x128xf32>
    %dot_general3A_106 = arith.constant dense<0.000000e+00> : vector<1000x128xf32>
    %dot_general3A_107 = tpu.matmul %add3A_97, %get3A_105, %dot_general3A_106 {dimension_numbers = #tpu.dot_dimension_numbers<[1], [0], [0], [1], [0, 0, 1, 1], [], []>, transpose_lhs_hint = false} : vector<1000x128xf32>, vector<128x128xf32>, vector<1000x128xf32> -> vector<1000x128xf32>
    %get3A_108 = arith.constant 0 : index
    %get3A_109 = arith.constant 0 : index
    %get3A_110 = vector.load %arg3[%get3A_108, %get3A_109] : memref<128x128xf32, #tpu.memory_space<vmem>>, vector<128x128xf32>
    %dot_general3A_111 = arith.constant dense<0.000000e+00> : vector<1000x128xf32>
    %dot_general3A_112 = tpu.matmul %add3A_25, %get3A_110, %dot_general3A_111 {dimension_numbers = #tpu.dot_dimension_numbers<[1], [0], [0], [1], [0, 0, 1, 1], [], []>, transpose_lhs_hint = false} : vector<1000x128xf32>, vector<128x128xf32>, vector<1000x128xf32> -> vector<1000x128xf32>
    %get3A_113 = arith.constant 0 : index
    %get3A_114 = arith.constant 0 : index
    %get3A_115 = vector.load %arg3[%get3A_113, %get3A_114] : memref<128x128xf32, #tpu.memory_space<vmem>>, vector<128x128xf32>
    %dot_general3A_116 = arith.constant dense<0.000000e+00> : vector<1000x128xf32>
    %dot_general3A_117 = tpu.matmul %add3A_61, %get3A_115, %dot_general3A_116 {dimension_numbers = #tpu.dot_dimension_numbers<[1], [0], [0], [1], [0, 0, 1, 1], [], []>, transpose_lhs_hint = false} : vector<1000x128xf32>, vector<128x128xf32>, vector<1000x128xf32> -> vector<1000x128xf32>
    %get3A_118 = arith.constant 0 : index
    %get3A_119 = arith.constant 0 : index
    %get3A_120 = vector.load %arg3[%get3A_118, %get3A_119] : memref<128x128xf32, #tpu.memory_space<vmem>>, vector<128x128xf32>
    %dot_general3A_121 = arith.constant dense<0.000000e+00> : vector<1000x128xf32>
    %dot_general3A_122 = tpu.matmul %add3A_97, %get3A_120, %dot_general3A_121 {dimension_numbers = #tpu.dot_dimension_numbers<[1], [0], [0], [1], [0, 0, 1, 1], [], []>, transpose_lhs_hint = false} : vector<1000x128xf32>, vector<128x128xf32>, vector<1000x128xf32> -> vector<1000x128xf32>
    %get3A_123 = arith.constant 0 : index
    %get3A_124 = arith.constant 0 : index
    %get3A_125 = vector.load %arg4[%get3A_123, %get3A_124] : memref<128x128xf32, #tpu.memory_space<vmem>>, vector<128x128xf32>
    %dot_general3A_126 = arith.constant dense<0.000000e+00> : vector<1000x128xf32>
    %dot_general3A_127 = tpu.matmul %add3A_25, %get3A_125, %dot_general3A_126 {dimension_numbers = #tpu.dot_dimension_numbers<[1], [0], [0], [1], [0, 0, 1, 1], [], []>, transpose_lhs_hint = false} : vector<1000x128xf32>, vector<128x128xf32>, vector<1000x128xf32> -> vector<1000x128xf32>
    %get3A_128 = arith.constant 0 : index
    %get3A_129 = arith.constant 0 : index
    %get3A_130 = vector.load %arg4[%get3A_128, %get3A_129] : memref<128x128xf32, #tpu.memory_space<vmem>>, vector<128x128xf32>
    %dot_general3A_131 = arith.constant dense<0.000000e+00> : vector<1000x128xf32>
    %dot_general3A_132 = tpu.matmul %add3A_61, %get3A_130, %dot_general3A_131 {dimension_numbers = #tpu.dot_dimension_numbers<[1], [0], [0], [1], [0, 0, 1, 1], [], []>, transpose_lhs_hint = false} : vector<1000x128xf32>, vector<128x128xf32>, vector<1000x128xf32> -> vector<1000x128xf32>
    %get3A_133 = arith.constant 0 : index
    %get3A_134 = arith.constant 0 : index
    %get3A_135 = vector.load %arg4[%get3A_133, %get3A_134] : memref<128x128xf32, #tpu.memory_space<vmem>>, vector<128x128xf32>
    %dot_general3A_136 = arith.constant dense<0.000000e+00> : vector<1000x128xf32>
    %dot_general3A_137 = tpu.matmul %add3A_97, %get3A_135, %dot_general3A_136 {dimension_numbers = #tpu.dot_dimension_numbers<[1], [0], [0], [1], [0, 0, 1, 1], [], []>, transpose_lhs_hint = false} : vector<1000x128xf32>, vector<128x128xf32>, vector<1000x128xf32> -> vector<1000x128xf32>
    %mul3A = arith.mulf %dot_general3A_102, %dot_general3A_112 : vector<1000x128xf32>
    %get3A_138 = arith.constant 0 : index
    %get3A_139 = arith.constant 0 : index
    %get3A_140 = vector.load %arg6[%get3A_138, %get3A_139] : memref<128x8xf32, #tpu.memory_space<vmem>>, vector<128x8xf32>
    %dot_general3A_141 = arith.constant dense<0.000000e+00> : vector<1000x8xf32>
    %dot_general3A_142 = tpu.matmul %mul3A, %get3A_140, %dot_general3A_141 {dimension_numbers = #tpu.dot_dimension_numbers<[1], [0], [0], [1], [0, 0, 1, 1], [], []>, transpose_lhs_hint = false} : vector<1000x128xf32>, vector<128x8xf32>, vector<1000x8xf32> -> vector<1000x8xf32>
    %mul3A_143 = arith.constant 2.500000e-01 : f32
    %mul3A_144 = vector.broadcast %mul3A_143 : f32 to vector<1000x8xf32>
    %mul3A_145 = arith.mulf %dot_general3A_142, %mul3A_144 : vector<1000x8xf32>
    %mul3A_146 = arith.mulf %dot_general3A_102, %dot_general3A_117 : vector<1000x128xf32>
    %get3A_147 = arith.constant 0 : index
    %get3A_148 = arith.constant 0 : index
    %get3A_149 = vector.load %arg6[%get3A_147, %get3A_148] : memref<128x8xf32, #tpu.memory_space<vmem>>, vector<128x8xf32>
    %dot_general3A_150 = arith.constant dense<0.000000e+00> : vector<1000x8xf32>
    %dot_general3A_151 = tpu.matmul %mul3A_146, %get3A_149, %dot_general3A_150 {dimension_numbers = #tpu.dot_dimension_numbers<[1], [0], [0], [1], [0, 0, 1, 1], [], []>, transpose_lhs_hint = false} : vector<1000x128xf32>, vector<128x8xf32>, vector<1000x8xf32> -> vector<1000x8xf32>
    %mul3A_152 = arith.constant 2.500000e-01 : f32
    %mul3A_153 = vector.broadcast %mul3A_152 : f32 to vector<1000x8xf32>
    %mul3A_154 = arith.mulf %dot_general3A_151, %mul3A_153 : vector<1000x8xf32>
    %max3A = arith.maximumf %mul3A_145, %mul3A_154 : vector<1000x8xf32>
    %sub3A_155 = arith.subf %mul3A_145, %max3A : vector<1000x8xf32>
    %exp3A_156 = math.exp %sub3A_155 : vector<1000x8xf32>
    %sub3A_157 = arith.subf %mul3A_154, %max3A : vector<1000x8xf32>
    %exp3A_158 = math.exp %sub3A_157 : vector<1000x8xf32>
    %add3A_159 = arith.addf %exp3A_156, %exp3A_158 : vector<1000x8xf32>
    %div3A_160 = arith.divf %exp3A_156, %add3A_159 : vector<1000x8xf32>
    %get3A_161 = arith.constant 0 : index
    %get3A_162 = arith.constant 0 : index
    %get3A_163 = vector.load %arg7[%get3A_161, %get3A_162] : memref<8x128xf32, #tpu.memory_space<vmem>>, vector<8x128xf32>
    %dot_general3A_164 = arith.constant dense<0.000000e+00> : vector<1000x128xf32>
    %dot_general3A_165 = tpu.matmul %div3A_160, %get3A_163, %dot_general3A_164 {dimension_numbers = #tpu.dot_dimension_numbers<[1], [0], [0], [1], [0, 0, 1, 1], [], []>, transpose_lhs_hint = false} : vector<1000x8xf32>, vector<8x128xf32>, vector<1000x128xf32> -> vector<1000x128xf32>
    %mul3A_166 = arith.mulf %dot_general3A_165, %dot_general3A_127 : vector<1000x128xf32>
    %div3A_167 = arith.divf %exp3A_158, %add3A_159 : vector<1000x8xf32>
    %get3A_168 = arith.constant 0 : index
    %get3A_169 = arith.constant 0 : index
    %get3A_170 = vector.load %arg7[%get3A_168, %get3A_169] : memref<8x128xf32, #tpu.memory_space<vmem>>, vector<8x128xf32>
    %dot_general3A_171 = arith.constant dense<0.000000e+00> : vector<1000x128xf32>
    %dot_general3A_172 = tpu.matmul %div3A_167, %get3A_170, %dot_general3A_171 {dimension_numbers = #tpu.dot_dimension_numbers<[1], [0], [0], [1], [0, 0, 1, 1], [], []>, transpose_lhs_hint = false} : vector<1000x8xf32>, vector<8x128xf32>, vector<1000x128xf32> -> vector<1000x128xf32>
    %mul3A_173 = arith.mulf %dot_general3A_172, %dot_general3A_132 : vector<1000x128xf32>
    %add3A_174 = arith.addf %mul3A_166, %mul3A_173 : vector<1000x128xf32>
    %mul3A_175 = arith.mulf %dot_general3A_107, %dot_general3A_112 : vector<1000x128xf32>
    %get3A_176 = arith.constant 0 : index
    %get3A_177 = arith.constant 0 : index
    %get3A_178 = vector.load %arg6[%get3A_176, %get3A_177] : memref<128x8xf32, #tpu.memory_space<vmem>>, vector<128x8xf32>
    %dot_general3A_179 = arith.constant dense<0.000000e+00> : vector<1000x8xf32>
    %dot_general3A_180 = tpu.matmul %mul3A_175, %get3A_178, %dot_general3A_179 {dimension_numbers = #tpu.dot_dimension_numbers<[1], [0], [0], [1], [0, 0, 1, 1], [], []>, transpose_lhs_hint = false} : vector<1000x128xf32>, vector<128x8xf32>, vector<1000x8xf32> -> vector<1000x8xf32>
    %mul3A_181 = arith.constant 2.500000e-01 : f32
    %mul3A_182 = vector.broadcast %mul3A_181 : f32 to vector<1000x8xf32>
    %mul3A_183 = arith.mulf %dot_general3A_180, %mul3A_182 : vector<1000x8xf32>
    %mul3A_184 = arith.mulf %dot_general3A_107, %dot_general3A_117 : vector<1000x128xf32>
    %get3A_185 = arith.constant 0 : index
    %get3A_186 = arith.constant 0 : index
    %get3A_187 = vector.load %arg6[%get3A_185, %get3A_186] : memref<128x8xf32, #tpu.memory_space<vmem>>, vector<128x8xf32>
    %dot_general3A_188 = arith.constant dense<0.000000e+00> : vector<1000x8xf32>
    %dot_general3A_189 = tpu.matmul %mul3A_184, %get3A_187, %dot_general3A_188 {dimension_numbers = #tpu.dot_dimension_numbers<[1], [0], [0], [1], [0, 0, 1, 1], [], []>, transpose_lhs_hint = false} : vector<1000x128xf32>, vector<128x8xf32>, vector<1000x8xf32> -> vector<1000x8xf32>
    %mul3A_190 = arith.constant 2.500000e-01 : f32
    %mul3A_191 = vector.broadcast %mul3A_190 : f32 to vector<1000x8xf32>
    %mul3A_192 = arith.mulf %dot_general3A_189, %mul3A_191 : vector<1000x8xf32>
    %mul3A_193 = arith.mulf %dot_general3A_107, %dot_general3A_122 : vector<1000x128xf32>
    %get3A_194 = arith.constant 0 : index
    %get3A_195 = arith.constant 0 : index
    %get3A_196 = vector.load %arg6[%get3A_194, %get3A_195] : memref<128x8xf32, #tpu.memory_space<vmem>>, vector<128x8xf32>
    %dot_general3A_197 = arith.constant dense<0.000000e+00> : vector<1000x8xf32>
    %dot_general3A_198 = tpu.matmul %mul3A_193, %get3A_196, %dot_general3A_197 {dimension_numbers = #tpu.dot_dimension_numbers<[1], [0], [0], [1], [0, 0, 1, 1], [], []>, transpose_lhs_hint = false} : vector<1000x128xf32>, vector<128x8xf32>, vector<1000x8xf32> -> vector<1000x8xf32>
    %mul3A_199 = arith.constant 2.500000e-01 : f32
    %mul3A_200 = vector.broadcast %mul3A_199 : f32 to vector<1000x8xf32>
    %mul3A_201 = arith.mulf %dot_general3A_198, %mul3A_200 : vector<1000x8xf32>
    %max3A_202 = arith.maximumf %mul3A_183, %mul3A_192 : vector<1000x8xf32>
    %max3A_203 = arith.maximumf %max3A_202, %mul3A_201 : vector<1000x8xf32>
    %sub3A_204 = arith.subf %mul3A_183, %max3A_203 : vector<1000x8xf32>
    %exp3A_205 = math.exp %sub3A_204 : vector<1000x8xf32>
    %sub3A_206 = arith.subf %mul3A_192, %max3A_203 : vector<1000x8xf32>
    %exp3A_207 = math.exp %sub3A_206 : vector<1000x8xf32>
    %sub3A_208 = arith.subf %mul3A_201, %max3A_203 : vector<1000x8xf32>
    %exp3A_209 = math.exp %sub3A_208 : vector<1000x8xf32>
    %add3A_210 = arith.addf %exp3A_205, %exp3A_207 : vector<1000x8xf32>
    %add3A_211 = arith.addf %add3A_210, %exp3A_209 : vector<1000x8xf32>
    %div3A_212 = arith.divf %exp3A_205, %add3A_211 : vector<1000x8xf32>
    %get3A_213 = arith.constant 0 : index
    %get3A_214 = arith.constant 0 : index
    %get3A_215 = vector.load %arg7[%get3A_213, %get3A_214] : memref<8x128xf32, #tpu.memory_space<vmem>>, vector<8x128xf32>
    %dot_general3A_216 = arith.constant dense<0.000000e+00> : vector<1000x128xf32>
    %dot_general3A_217 = tpu.matmul %div3A_212, %get3A_215, %dot_general3A_216 {dimension_numbers = #tpu.dot_dimension_numbers<[1], [0], [0], [1], [0, 0, 1, 1], [], []>, transpose_lhs_hint = false} : vector<1000x8xf32>, vector<8x128xf32>, vector<1000x128xf32> -> vector<1000x128xf32>
    %mul3A_218 = arith.mulf %dot_general3A_217, %dot_general3A_127 : vector<1000x128xf32>
    %div3A_219 = arith.divf %exp3A_207, %add3A_211 : vector<1000x8xf32>
    %get3A_220 = arith.constant 0 : index
    %get3A_221 = arith.constant 0 : index
    %get3A_222 = vector.load %arg7[%get3A_220, %get3A_221] : memref<8x128xf32, #tpu.memory_space<vmem>>, vector<8x128xf32>
    %dot_general3A_223 = arith.constant dense<0.000000e+00> : vector<1000x128xf32>
    %dot_general3A_224 = tpu.matmul %div3A_219, %get3A_222, %dot_general3A_223 {dimension_numbers = #tpu.dot_dimension_numbers<[1], [0], [0], [1], [0, 0, 1, 1], [], []>, transpose_lhs_hint = false} : vector<1000x8xf32>, vector<8x128xf32>, vector<1000x128xf32> -> vector<1000x128xf32>
    %mul3A_225 = arith.mulf %dot_general3A_224, %dot_general3A_132 : vector<1000x128xf32>
    %add3A_226 = arith.addf %mul3A_218, %mul3A_225 : vector<1000x128xf32>
    %div3A_227 = arith.divf %exp3A_209, %add3A_211 : vector<1000x8xf32>
    %get3A_228 = arith.constant 0 : index
    %get3A_229 = arith.constant 0 : index
    %get3A_230 = vector.load %arg7[%get3A_228, %get3A_229] : memref<8x128xf32, #tpu.memory_space<vmem>>, vector<8x128xf32>
    %dot_general3A_231 = arith.constant dense<0.000000e+00> : vector<1000x128xf32>
    %dot_general3A_232 = tpu.matmul %div3A_227, %get3A_230, %dot_general3A_231 {dimension_numbers = #tpu.dot_dimension_numbers<[1], [0], [0], [1], [0, 0, 1, 1], [], []>, transpose_lhs_hint = false} : vector<1000x8xf32>, vector<8x128xf32>, vector<1000x128xf32> -> vector<1000x128xf32>
    %mul3A_233 = arith.mulf %dot_general3A_232, %dot_general3A_137 : vector<1000x128xf32>
    %add3A_234 = arith.addf %add3A_226, %mul3A_233 : vector<1000x128xf32>
    %add3A_235 = arith.addf %dot_general3A_127, %add3A_25 : vector<1000x128xf32>
    %swap3A = arith.constant 0 : index
    %swap3A_236 = arith.constant 0 : index
    %swap3A_237 = arith.constant 0 : index
    %swap3A_238 = vector.load %arg8[%swap3A, %swap3A_236, %swap3A_237] : memref<1000x3x128xf32, #tpu.memory_space<vmem>>, vector<1000x1x128xf32>
    %swap3A_239 = vector.shape_cast %swap3A_238 : vector<1000x1x128xf32> to vector<1000x128xf32>
    %swap3A_240 = vector.shape_cast %add3A_235 : vector<1000x128xf32> to vector<1000x1x128xf32>
    tpu.vector_store %arg8[%swap3A, %swap3A_236, %swap3A_237], %swap3A_240 {strides = array<i32>} : memref<1000x3x128xf32, #tpu.memory_space<vmem>>, vector<1000x1x128xf32>,
    %add3A_241 = arith.addf %add3A_174, %add3A_61 : vector<1000x128xf32>
    %swap3A_242 = arith.constant 0 : index
    %swap3A_243 = arith.constant 1 : index
    %swap3A_244 = arith.constant 0 : index
    %swap3A_245 = vector.load %arg8[%swap3A_242, %swap3A_243, %swap3A_244] : memref<1000x3x128xf32, #tpu.memory_space<vmem>>, vector<1000x1x128xf32>
    %swap3A_246 = vector.shape_cast %swap3A_245 : vector<1000x1x128xf32> to vector<1000x128xf32>
    %swap3A_247 = vector.shape_cast %add3A_241 : vector<1000x128xf32> to vector<1000x1x128xf32>
    tpu.vector_store %arg8[%swap3A_242, %swap3A_243, %swap3A_244], %swap3A_247 {strides = array<i32>} : memref<1000x3x128xf32, #tpu.memory_space<vmem>>, vector<1000x1x128xf32>,
    %add3A_248 = arith.addf %add3A_234, %add3A_97 : vector<1000x128xf32>
    %swap3A_249 = arith.constant 0 : index
    %swap3A_250 = arith.constant 2 : index
    %swap3A_251 = arith.constant 0 : index
    %swap3A_252 = vector.load %arg8[%swap3A_249, %swap3A_250, %swap3A_251] : memref<1000x3x128xf32, #tpu.memory_space<vmem>>, vector<1000x1x128xf32>
    %swap3A_253 = vector.shape_cast %swap3A_252 : vector<1000x1x128xf32> to vector<1000x128xf32>
    %swap3A_254 = vector.shape_cast %add3A_248 : vector<1000x128xf32> to vector<1000x1x128xf32>
    tpu.vector_store %arg8[%swap3A_249, %swap3A_250, %swap3A_251], %swap3A_254 {strides = array<i32>} : memref<1000x3x128xf32, #tpu.memory_space<vmem>>, vector<1000x1x128xf32>,
    return
  }
  func.func @transform_0(%arg0: i32) -> (i32, i32, i32, i32) {
    %c0_i32 = arith.constant 0 : i32
    %c0_i32_0 = arith.constant 0 : i32
    %c0_i32_1 = arith.constant 0 : i32
    %c0_i32_2 = arith.constant 0 : i32
    return %c0_i32, %c0_i32_0, %arg0, %c0_i32_1 : i32, i32, i32, i32
  }
  func.func @transform_1(%arg0: i32) -> (i32, i32) {
    %c0_i32 = arith.constant 0 : i32
    %c0_i32_0 = arith.constant 0 : i32
    %c0_i32_1 = arith.constant 0 : i32
    return %c0_i32, %c0_i32_0 : i32, i32
  }
  func.func @transform_2(%arg0: i32) -> (i32, i32) {
    %c0_i32 = arith.constant 0 : i32
    %c0_i32_0 = arith.constant 0 : i32
    %c0_i32_1 = arith.constant 0 : i32
    return %c0_i32, %c0_i32_0 : i32, i32
  }
  func.func @transform_3(%arg0: i32) -> (i32, i32) {
    %c0_i32 = arith.constant 0 : i32
    %c0_i32_0 = arith.constant 0 : i32
    %c0_i32_1 = arith.constant 0 : i32
    return %c0_i32, %c0_i32_0 : i32, i32
  }
  func.func @transform_4(%arg0: i32) -> (i32, i32) {
    %c0_i32 = arith.constant 0 : i32
    %c0_i32_0 = arith.constant 0 : i32
    %c0_i32_1 = arith.constant 0 : i32
    return %c0_i32, %c0_i32_0 : i32, i32
  }
  func.func @transform_5(%arg0: i32) -> (i32, i32) {
    %c0_i32 = arith.constant 0 : i32
    %c0_i32_0 = arith.constant 0 : i32
    %c0_i32_1 = arith.constant 0 : i32
    return %c0_i32, %c0_i32_0 : i32, i32
  }
  func.func @transform_6(%arg0: i32) -> (i32, i32) {
    %c0_i32 = arith.constant 0 : i32
    %c0_i32_0 = arith.constant 0 : i32
    %c0_i32_1 = arith.constant 0 : i32
    return %c0_i32, %c0_i32_0 : i32, i32
  }
  func.func @transform_7(%arg0: i32) -> (i32, i32, i32) {
    %c0_i32 = arith.constant 0 : i32
    %c0_i32_0 = arith.constant 0 : i32
    %c0_i32_1 = arith.constant 0 : i32
    return %arg0, %c0_i32, %c0_i32_0 : i32, i32, i32
  }
}

</mosaic_0001>

<sc_bundles>
// kernel: kernel.5.cloned.1.call-start
scs
__scs_entry_jumppad:
0x0: {  	(pc) =	sbr.rel $0x88, $3  }
0x1: {  	(tag) =	ssettag $0x0;
	lr =	simm.s32 $0x1  }
0x2: {  	[smem:$0x3F98] =	sst lr;
	_ =	strace $0xD0000000  }
0x3: {  	_ = 	snop  }
0x4: {  	_ = 	snop  }
0x5: {  	_ = 	snop  }
0x6: {  	_ = 	snop  }
0x7: {  	_ = 	snop  }
__scs_overlays_trampoline_lowered:
0x8: {  	[smem:$0x3FA7] =	sst s0  }
0x9: {  	[smem:$0x3FA8] =	sst s1  }
0xa: {  	[smem:$0x3FA9] =	sst s2  }
0xb: {  	[smem:$0x3FAA] =	sst s3  }
0xc: {  	[smem:$0x3FAB] =	sst s4  }
0xd: {  	[smem:$0x3FAC] =	sst s5  }
0xe: {  	[smem:$0x3FAD] =	sst s6  }
0xf: {  	[smem:$0x3FAE] =	sst s7  }
0x10: {  	[smem:$0x3FAF] =	sst s8  }
0x11: {  	[smem:$0x3FB0] =	sst s9;
	s0 =	simm.s32 @!p0 $0x0  }
0x12: {  	s1 =	sld [smem:$0x3F96];
	s0 =	simm.s32 @p0 $0x1  }
0x13: {  	[smem:$0x3FB1] =	sst s0;
	s0 =	simm.s32 @!p1 $0x0  }
0x14: {  	s2 =	sld [smem:$0x3F95];
	s0 =	simm.s32 @p1 $0x1  }
0x15: {  	[smem:$0x3FB2] =	sst s0;
	s0 =	simm.s32 @!p2 $0x0  }
0x16: {  	s3 =	sld [smem:$0x3FDB];
	s0 =	simm.s32 @p2 $0x1  }
0x17: {  	s4 =	simm.s32 $0x1BF5;
	[smem:$0x3FB4] =	sst s0  }
0x18: {  	s0 =	sld [smem:$0x3F97];
	_ =	swait.ge [sflag:s4], $0x0  }
0x19: {  	s7 =	sld [smem:$0x3F98]  }
0x1a: {  	s8 =	sadd.s32 $0xFFFFE003, lr  }
0x1b: {  	s9 =	sadd.s32 $0xFFFFFEF7, lr;
	s5 =	simm.s32 $0xFFFFFFFF;
	p2 =	slt.u32 s8, $0xFFFFF086  }
0x1c: {  	p1 =	slt.u32 s9, $0xF7A;
	s5 =	simm.s32 @!p2 $0x0  }
0x1d: {  	s5 =	simm.s32 @p1 $0x1;
	p0 =	seq.s32 s7, s2  }
0x1e: {  	s7 =	smul.u32 @!p0 $0xF7A, s2;
	p2 =	seq.s32 @!p0 s5, $0x0  }
0x1f: {  	s9 =	smul.u32 $0xF7A, s1;
	s8 =	simm.s32 @!p0 $0x1BF5;
	p2 =	por !p2, p0  }
0x20: {  	[sflag:s8] =	ssyncset.s32 @!p0 $0xFFFFF086;
	s6 =	sadd.s32 @!p0 s3, s7;
	s7 =	simm.s32 @!p0 $0x108  }
0x21: {  	s3 =	sadd.s32 s3, s9;
	s6 =	sadd.s32 @!p0 $0x88, s6;
	s7 =	simm.s32 @p2 $0x1082  }
0x22: {  	[simem:s7], [sflag:s8] =	dma.local @!p0 [hbm:s6], $0xF7A  }
0x23: {  	s9 =	sor.u32 $0xD0000000, s2;
	s6 =	simm.s32 $0x108;
	_ =	swait.ge @!p0 [sflag:s8], $0x0  }
0x24: {  	s3 =	sadd.s32 $0x88, s3;
	s6 =	simm.s32 @!p1 $0x1082;
	[sflag:s4] =	ssyncset.s32 $0xFFFFF086  }
0x25: {  	[simem:s6], [sflag:s4] =	dma.local [hbm:s3], $0xF7A  }
0x26: {  	[smem:$0x3F98] =	sst s1;
	(tag) =	ssettag s2;
	_ =	strace s9  }
0x27: {  	s1 =	sld [smem:$0x3FA8]  }
0x28: {  	s2 =	sld [smem:$0x3FA9]  }
0x29: {  	s4 =	sld [smem:$0x3FAB]  }
0x2a: {  	p0 =	seq.s32 s5, $0x0;
	s5 =	sld [smem:$0x3FAC]  }
0x2b: {  	s6 =	sld [smem:$0x3FAD]  }
0x2c: {  	s7 =	sld [smem:$0x3FAE]  }
0x2d: {  	s3 =	simm.s32 $0x108;
	s8 =	sld [smem:$0x3FAF]  }
0x2e: {  	s3 =	simm.s32 @!p0 $0x1082;
	s9 =	sld [smem:$0x3FB0]  }
0x2f: {  	lr =	sadd.s32 s0, s3;
	s0 =	sld [smem:$0x3FA7]  }
0x30: {  	s3 =	sld [smem:$0x3FAA]  }
0x31: {  	[smem:$0x3FB3] =	sst s10  }
0x32: {  	s10 =	sld [smem:$0x3FB1];
	_ =	sdelay $0x3  }
0x33: {  	p0 =	seq.s32 s10, $0x1;
	s10 =	sld [smem:$0x3FB3];
	_ =	sdelay $0x3  }
0x34: {  	[smem:$0x3FB3] =	sst s10  }
0x35: {  	s10 =	sld [smem:$0x3FB2];
	_ =	sdelay $0x3  }
0x36: {  	p1 =	seq.s32 s10, $0x1;
	s10 =	sld [smem:$0x3FB3];
	_ =	sdelay $0x3  }
0x37: {  	[smem:$0x3FB3] =	sst s10  }
0x38: {  	s10 =	sld [smem:$0x3FB4]  }
0x39: {  	_ = 	snop;
	(pc) =	sbr.ind lr, $3  }
0x3a: {  	_ = 	snop  }
0x3b: {  	_ = 	snop  }
0x3c: {  	p2 =	seq.s32 s10, $0x1;
	s10 =	sld [smem:$0x3FB3]  }
0x3d: {  	_ =	shalt  }
0x3e: {  	_ =	shalt  }
0x3f: {  	_ =	shalt  }
0x40: {  	_ =	shalt  }
0x41: {  	_ =	shalt  }
0x42: {  	_ =	shalt  }
0x43: {  	_ =	shalt  }
0x44: {  	_ =	shalt  }
0x45: {  	_ =	shalt  }
0x46: {  	_ =	shalt  }
0x47: {  	_ =	shalt  }
0x48: {  	_ =	shalt  }
0x49: {  	_ =	shalt  }
0x4a: {  	_ =	shalt  }
0x4b: {  	_ =	shalt  }
0x4c: {  	_ =	shalt  }
0x4d: {  	_ =	shalt  }
0x4e: {  	_ =	shalt  }
0x4f: {  	_ =	shalt  }
0x50: {  	_ =	shalt  }
0x51: {  	_ =	shalt  }
0x52: {  	_ =	shalt  }
0x53: {  	_ =	shalt  }
0x54: {  	_ =	shalt  }
0x55: {  	_ =	shalt  }
0x56: {  	_ =	shalt  }
0x57: {  	_ =	shalt  }
0x58: {  	_ =	shalt  }
0x59: {  	_ =	shalt  }
0x5a: {  	_ =	shalt  }
0x5b: {  	_ =	shalt  }
0x5c: {  	_ =	shalt  }
0x5d: {  	_ =	shalt  }
0x5e: {  	_ =	shalt  }
0x5f: {  	_ =	shalt  }
0x60: {  	_ =	shalt  }
0x61: {  	_ =	shalt  }
0x62: {  	_ =	shalt  }
0x63: {  	_ =	shalt  }
0x64: {  	_ =	shalt  }
0x65: {  	_ =	shalt  }
0x66: {  	_ =	shalt  }
0x67: {  	_ =	shalt  }
0x68: {  	_ =	shalt  }
0x69: {  	_ =	shalt  }
0x6a: {  	_ =	shalt  }
0x6b: {  	_ =	shalt  }
0x6c: {  	_ =	shalt  }
0x6d: {  	_ =	shalt  }
0x6e: {  	_ =	shalt  }
0x6f: {  	_ =	shalt  }
0x70: {  	_ =	shalt  }
0x71: {  	_ =	shalt  }
0x72: {  	_ =	shalt  }
0x73: {  	_ =	shalt  }
0x74: {  	_ =	shalt  }
0x75: {  	_ =	shalt  }
0x76: {  	_ =	shalt  }
0x77: {  	_ =	shalt  }
0x78: {  	_ =	shalt  }
0x79: {  	_ =	shalt  }
0x7a: {  	_ =	shalt  }
0x7b: {  	_ =	shalt  }
0x7c: {  	_ =	shalt  }
0x7d: {  	_ =	shalt  }
0x7e: {  	_ =	shalt  }
0x7f: {  	_ =	shalt  }
0x80: {  	_ =	shalt  }
0x81: {  	_ =	shalt  }
0x82: {  	_ =	shalt  }
0x83: {  	_ =	shalt  }
0x84: {  	_ =	shalt  }
0x85: {  	_ =	shalt  }
0x86: {  	_ =	shalt  }
0x87: {  	_ =	shalt  }
.Lfunc_end0:
.L_simem_size_0:
called_computation_lowered:
.L_overlay_start_0:
0x88: {  	s2 =	sld [smem:$0x3FD9]  }
0x89: {  	s3 =	sld [smem:$0x3FFE];
	_ =	sdelay $0x1  }
0x8a: {  	s1 =	srdreg.scid  }
0x8b: {  	s0 =	sand.u32 $0x1, s1  }
0x8c: {  	s17 =	sshll.u32 s0, $0xA;
	s2 =	sadd.s32 s3, s2  }
0x8d: {  	s2 =	sadd.s32 s2, s17  }
0x8e: {  	[smem:$0x3FBF] =	sst s2  }
0x8f: {  	_ = 	snop  }
0x90: {  	s2 =	sld [smem:$0x3FD0];
	(tm) =	ssettm $0x1  }
0x91: {  	s18 =	sld [smem:$0x3FFB];
	_ =	sdelay $0x3  }
0x92: {  	_ =	strace s18  }
0x93: {  	s3 =	sld [smem:$0x3FFC];
	_ =	sdelay $0x3  }
0x94: {  	_ =	strace s3  }
0x95: {  	s3 =	sld [smem:$0x3FFD];
	_ =	sdelay $0x3  }
0x96: {  	_ =	strace s3  }
0x97: {  	_ =	strace $0x8FFFFFFF  }
0x98: {  	s19 =	sld [smem:$0x3FDB];
	_ =	sdelay $0x1  }
0x99: {  	s4 =	simm.s32 $_scs_section_size  }
0x9a: {  	s5 =	simm.s32 $_size__tile_overlayer_lowered;
	s6 =	simm.s32 $_tile_overlayer_lowered  }
0x9b: {  	s22 =	simm.s32 $0x1BFF;
	s21 =	sshll.u32 s6, $0x1;
	s3 =	sadd.s32 s4, s19  }
0x9c: {  	s7 =	simm.s32 $0x0;
	s20 =	sshll.u32 s5, $0x1;
	s5 =	sadd.s32 s21, s3  }
0x9d: {  	[timem:s7], [sflag:s22] =	dma.local [hbm:s5], s20  }
0x9e: {  	_ =	swait.ge [sflag:s22], s20  }
0x9f: {  	s4 =	ssub.s32 $0x0, s20;
	[sflag:s22] =	ssyncset.done $0x0  }
0xa0: {  	[sflag:s22] =	ssyncadd.s32 s4;
	_ =	sdelay $0x1  }
0xa1: {  	s23 =	simm.s32 $0x1B8B  }
0xa2: {  	_ =	swait.ge [sflag:s23], $0x1  }
0xa3: {  	[sflag:s23] =	ssyncset.done $0x0  }
0xa4: {  	s25 =	simm.s32 $0x1B8E;
	s24 =	sld [smem:$0x3FFE];
	[sflag:s23] =	ssyncadd.s32 $0xFFFFFFFF  }
0xa5: {  	s26 =	simm.s32 $execute0_lowered;
	[smem:$0x3FD2] =	sst s25  }
0xa6: {  	s5 =	sshll.u32 s26, $0x1;
	_ =	strace $0x80000046;
	[dreg:$0x1] =	wrdreg $0xFFFFFFFF  }
0xa7: {  	s28 =	simm.s32 $_size_execute0_lowered;
	s3 =	sadd.s32 s3, s5;
	[dreg:$0x0] =	wrdreg $0x0  }
0xa8: {  	s5 =	sshll.u32 s28, $0x1;
	[dreg:$0x2] =	wrdreg s3  }
0xa9: {  	[dreg:$0x3] =	wrdreg s5  }
0xaa: {  	[dreg:$0x4] =	wrdreg $0xC0  }
0xab: {  	_ =	task [dreg:s7], $0x5FFFF  }
0xac: {  	[dreg:$0x1] =	wrdreg $0xFFFFFFFF  }
0xad: {  	[dreg:$0x0] =	wrdreg $0x60  }
0xae: {  	[dreg:$0x2] =	wrdreg s24  }
0xaf: {  	[dreg:$0x3] =	wrdreg s2  }
0xb0: {  	[dreg:$0x4] =	wrdreg $0x60400  }
0xb1: {  	[dreg:$0x5] =	wrdreg $0x9  }
0xb2: {  	_ =	task.clear_ibuf [dreg:s7], $0x6FFFF;
	_ =	strace $0x90000046  }
0xb3: {  	s29 =	simm.s32 $0x9;
	_ =	strace $0x80000048  }
0xb4: {  	_ =	swait.ge [sflag:s29], $0x1  }
0xb5: {  	[sflag:s29] =	ssyncadd.s32 $0xFFFFFFFF  }
0xb6: {  	_ =	strace $0x90000048  }
0xb7: {  	_ =	sfence  }
0xb8: {  	s30 =	sld [smem:$0x0];
	_ =	sdelay $0x2  }
0xb9: {  	s31 =	sshll.u32 s1, $0xD;
	s1 =	sshrl.u32 s1, $0x2  }
0xba: {  	s3 =	sand.u32 $0x4000, s31;
	s1 =	sadd.s32 s1, s30  }
0xbb: {  	s0 =	sor.u32 s3, s0;
	s1 =	sshll.u32 s1, $0x11  }
0xbc: {  	s0 =	sor.u32 s1, s0  }
0xbd: {  	s0 =	sadd.s32 $0x8F2B, s0  }
0xbe: {  	[sflag:s0] =	ssyncadd.remote.s32 $0x1  }
0xbf: {  	_ =	sfence.sel $0xFFFF  }
0xc0: {  	[dreg:$0x0] =	wrdreg $0xFFFFFFFF;
	(pc) =	sbr.abs _section_cstart, $3  }
0xc1: {  	[dreg:$0x1] =	wrdreg $0xFFFFFFFF  }
0xc2: {  	_ =	task.clear_ibuf [dreg:s7], $0x2FFFF;
	_ =	strace $0x9FFFFFFF  }
0xc3: {  	(tm) =	ssettm $0x7FFFFFFF  }
tec
execute0_lowered:
.L_overlay_start_1:
0x0: {  	(tag) =	ssettag $0x1  }
0x1: {  	s0 =	rddreg [dreg:$0x0]  }
0x2: {  	s8 =	rddreg [dreg:$0x1]  }
0x3: {  	s3 =	rddreg [dreg:$0x2];
	s4 =	simm.s32 $0x0;
	s1 =	srdreg.scid  }
0x4: {  	s10 =	stileid.u32;
	s30 =	simm.s32 $0x3020;
	s31 =	simm.s32 $0x3048  }
0x5: {  	s28 =	simm.s32 $0x19A0;
	s29 =	simm.s32 $0x4;
	[smem:$0x7FF] =	sst s4  }
0x6: {  	s1 =	sand.u32 $0x1, s1;
	s2 =	sshll.u32 s10, $0x1;
	s5 =	sadd.s32 $0xEBE00, s0  }
0x7: {  	s18 =	sadd.s32 $0x1800, s0;
	s15 =	sadd.s32 $0x10400, s0;
	s20 =	smul.u32 $0x15F90, s10  }
0x8: {  	s6 =	sadd.s32 $0x2DA00, s0;
	s7 =	smul.u32 $0x57E40, s10;
	s0 =	sadd.s32 $0x16FC00, s0  }
0x9: {  	s23 =	smul.u32 $0x4E20, s10;
	_ =	strace $0x80000047;
	[dreg:$0x4] =	wrdreg s5  }
0xa: {  	s24 =	sshll.u32 s10, $0x6;
	s2 =	sor.u32 s1, s2;
	[dreg:$0x5] =	wrdreg s18  }
0xb: {  	s19 =	ssub.s32 $0x2, s1;
	[dreg:$0x17] =	wrdreg s6;
	s25 =	smul.u32 $0x2710, s1  }
0xc: {  	[dreg:$0x8] =	wrdreg s0;
	s12 =	sor.u32 $0x1C09, s24;
	s1 =	smul.u32 $0x15F900, s1  }
0xd: {  	[dreg:$0x7] =	wrdreg s15;
	s5 =	simm.s32 $0x0;
	s13 =	smul.u32 $0x2710, s2  }
0xe: {  	s21 =	sshrl.u32 s19, $0x1;
	s7 =	sshrl.u32 s7, $0x2;
	s11 =	sadd.s32 s20, s3  }
0xf: {  	s22 =	ssub.s32 s19, s21;
	[dreg:$0x9] =	wrdreg s11;
	s26 =	sadd.s32 s7, s3  }
0x10: {  	s2 =	sadd.s32 s25, s23;
	s1 =	sadd.s32 s1, s20;
	s7 =	sadd.s32 $0x4650, s26  }
0x11: {  	s9 =	sadd.s32 $0x8CA0, s26;
	s16 =	sadd.s32 $0xD2F0, s26;
	s14 =	sadd.s32 $0x78, s2  }
0x12: {  	s6 =	sadd.s32 $0x11940, s26;
	[dreg:$0x6] =	wrdreg s13;
	s13 =	sadd.s32 $0x28, s13  }
0x13: {  	[dreg:$0xb] =	wrdreg s1;
	s0 =	smax.u32 s22, $0x1;
	s19 =	sadd.s32 $0x4E278, s2  }
0x14: {  	s20 =	sadd.s32 $0x50, s2;
	s2 =	sadd.s32 $0x4E250, s2;
	[dreg:$0xa] =	wrdreg s13  }
0x15: {  	s14 =	sshrl.u32 s14, $0x3;
	[dreg:$0xc] =	wrdreg s0;
	s23 =	sshrl.u32 s7, $0x3  }
0x16: {  	s0 =	sshrl.u32 s19, $0x3;
	s24 =	sshrl.u32 s9, $0x3;
	[dreg:$0x13] =	wrdreg s23  }
0x17: {  	s1 =	sshrl.u32 s20, $0x3;
	s25 =	sshrl.u32 s16, $0x3;
	[dreg:$0x14] =	wrdreg s24  }
0x18: {  	s22 =	sshrl.u32 s2, $0x3;
	s26 =	sshrl.u32 s6, $0x3;
	[dreg:$0x15] =	wrdreg s25  }
0x19: {  	s2 =	simm.s32 $0x1;
	s17 =	sadd.s32 s14, s15;
	[dreg:$0x16] =	wrdreg s26  }
0x1a: {  	s19 =	simm.s32 $0x4740;
	s18 =	sadd.s32 s14, s8;
	[dreg:$0xd] =	wrdreg s17  }
0x1b: {  	s20 =	simm.s32 $0x3;
	s0 =	sadd.s32 s0, s8;
	[dreg:$0xe] =	wrdreg s18  }
.Ltmp0:
0x1c: {  	s21 =	sadd.s32 s1, s15;
	[dreg:$0xf] =	wrdreg s0;
	(pc) =	sbr.rel .LBB2_1-.Ltmp0, $4  }
0x1d: {  	s16 =	simm.s32 $0x49C0;
	s1 =	sadd.s32 s1, s8;
	[dreg:$0x10] =	wrdreg s21  }
0x1e: {  	s26 =	simm.s32 $0x9;
	s15 =	simm.s32 $0x6;
	[dreg:$0x11] =	wrdreg s1  }
0x1f: {  	s0 =	sadd.s32 s22, s8;
	s17 =	simm.s32 $0x2;
	s18 =	simm.s32 $0x30C0  }
0x20: {  	s21 =	simm.s32 $0x5;
	[dreg:$0x12] =	wrdreg s0;
	s0 =	simm.s32 $0x3070  }
.LBB2_6:
0x21: {  	s5 =	rddreg [dreg:$0x18]  }
0x22: {  	s1 =	rddreg [dreg:$0xc];
	s5 =	sadd.s32 $0x1, s5  }
0x23: {  	p0 =	sne.s32 s5, s1  }
.Ltmp1:
0x24: {  	_ = 	snop;
	(pc) =	sbr.rel @!p0 .LBB2_7-.Ltmp1, $1  }
0x25: {  	_ =	sdelay $0x3  }
.LBB2_1:
0x26: {  	[dreg:$0x18] =	wrdreg s5  }
0x27: {  	s6 =	rddreg [dreg:$0x12]  }
.Ltmp2:
0x28: {  	s10 =	rddreg [dreg:$0x11];
	(pc) =	sbr.rel .LBB2_2-.Ltmp2, $4  }
0x29: {  	s11 =	rddreg [dreg:$0x10]  }
0x2a: {  	s14 =	rddreg [dreg:$0xf]  }
0x2b: {  	s22 =	rddreg [dreg:$0xe]  }
0x2c: {  	s23 =	rddreg [dreg:$0xd];
	s24 =	simm.s32 $0x0  }
.LBB2_5:
0x2d: {  	s1 =	simm.s32 $0x7  }
0x2e: {  	_ =	swait.ge [sflag:s1], $0x1680  }
0x2f: {  	[sflag:s1] =	ssyncset.done $0x0  }
0x30: {  	s7 =	simm.s32 $0x8;
	[sflag:s1] =	ssyncadd.s32 $0xFFFFE980  }
0x31: {  	_ =	swait.ge [sflag:s7], $0x1680  }
0x32: {  	s9 =	smul.u32 $0x2BF200, s24;
	[sflag:s7] =	ssyncset.done $0x0  }
0x33: {  	s5 =	rddreg [dreg:$0xb];
	[sflag:s7] =	ssyncadd.s32 $0xFFFFE980  }
0x34: {  	s24 =	sadd.s32 $0x1, s24;
	s1 =	sadd.s32 s9, s5;
	[bflag:$0x0] =	sbarrier.arrive $0xFFFF  }
0x35: {  	p0 =	sne.s32 s24, $0x3;
	s1 =	sshrl.u32 s1, $0x3;
	s13 =	rddreg [dreg:$0x8]  }
.Ltmp3:
0x36: {  	s25 =	rddreg [dreg:$0x19];
	s1 =	sadd.s32 s13, s1;
	(pc) =	sbr.rel @!p0 .LBB2_6-.Ltmp3, $4  }
0x37: {  	[hbm:s1], [sflag:s12] =	dma.local [spmem:s25], $0x2BF2  }
0x38: {  	s23 =	sadd.s32 $0x9C40, s23;
	s22 =	sadd.s32 $0x13880, s22;
	_ =	swait.ge [sflag:s26], $0x2BF2  }
0x39: {  	s14 =	sadd.s32 $0x13880, s14;
	s11 =	sadd.s32 $0x9C40, s11;
	[sflag:s26] =	ssyncset.done $0x0  }
0x3a: {  	s10 =	sadd.s32 $0x13880, s10;
	s6 =	sadd.s32 $0x13880, s6;
	[sflag:s26] =	ssyncadd.s32 $0xFFFFD40E  }
.LBB2_2:
0x3b: {  	s1 =	rddreg [dreg:$0x9]  }
0x3c: {  	s7 =	rddreg [dreg:$0x17];
	s1 =	sshrl.u32 s1, $0x3  }
0x3d: {  	[dreg:$0x19] =	wrdreg s1  }
0x3e: {  	[spmem:s1], [sflag:s12] =	dma.local [hbm:s7], $0x8CA  }
0x3f: {  	_ =	swait.ge [sflag:s26], $0x8CA  }
0x40: {  	[sflag:s26] =	ssyncset.done $0x0  }
0x41: {  	s8 =	rddreg [dreg:$0x13];
	[sflag:s26] =	ssyncadd.s32 $0xFFFFF736  }
0x42: {  	[spmem:s8], [sflag:s12] =	dma.local [hbm:s7], $0x8CA  }
0x43: {  	_ =	swait.ge [sflag:s26], $0x8CA  }
0x44: {  	[sflag:s26] =	ssyncset.done $0x0  }
0x45: {  	s9 =	rddreg [dreg:$0x14];
	[sflag:s26] =	ssyncadd.s32 $0xFFFFF736  }
0x46: {  	[spmem:s9], [sflag:s12] =	dma.local [hbm:s7], $0x8CA  }
0x47: {  	_ =	swait.ge [sflag:s26], $0x8CA  }
0x48: {  	[sflag:s26] =	ssyncset.done $0x0  }
0x49: {  	s13 =	rddreg [dreg:$0x15];
	[sflag:s26] =	ssyncadd.s32 $0xFFFFF736  }
0x4a: {  	[spmem:s13], [sflag:s12] =	dma.local [hbm:s7], $0x8CA  }
0x4b: {  	_ =	swait.ge [sflag:s26], $0x8CA  }
0x4c: {  	[sflag:s26] =	ssyncset.done $0x0  }
0x4d: {  	s25 =	rddreg [dreg:$0x16];
	[sflag:s26] =	ssyncadd.s32 $0xFFFFF736  }
0x4e: {  	[spmem:s25], [sflag:s12] =	dma.local [hbm:s7], $0x8CA  }
0x4f: {  	s5 =	smul.u32 $0x9C400, s24;
	_ =	swait.ge [sflag:s26], $0x8CA  }
0x50: {  	s25 =	rddreg [dreg:$0x6];
	[sflag:s26] =	ssyncset.done $0x0  }
0x51: {  	s8 =	sadd.s32 s25, s5;
	[sflag:s26] =	ssyncadd.s32 $0xFFFFF736  }
0x52: {  	s1 =	sshrl.u32 s8, $0x3;
	s13 =	rddreg [dreg:$0x1]  }
0x53: {  	s8 =	smul.u32 $0x4E200, s24;
	s9 =	sadd.s32 s13, s1;
	s1 =	simm.s32 $0x0  }
0x54: {  	[tilespmem:s1], [sflag:$0x1] =	stream.linear.gather [hbm4b:s9+s1], $0x28, $0x38;
	[tilespmem:$0x1BFD0] =	vst v63  }
0x55: {  	s7 =	sadd.s32 $0x9C40, s9;
	s9 =	simm.s32 $0x28;
	s25 =	sadd.s32 s25, s8  }
0x56: {  	[tilespmem:s9], [sflag:$0x1] =	stream.linear.gather [hbm4b:s7+s1], $0x28, $0x38;
	[tilespmem:$0x1BFD0] =	vst v63  }
0x57: {  	s7 =	sshrl.u32 s25, $0x3;
	s25 =	rddreg [dreg:$0x7]  }
0x58: {  	s9 =	simm.s32 $0x50;
	s7 =	sadd.s32 s25, s7  }
0x59: {  	[tilespmem:s9], [sflag:$0x1] =	stream.linear.gather [hbm4b:s7+s1], $0x28, $0x38;
	[tilespmem:$0x1BFD0] =	vst v63  }
0x5a: {  	s9 =	rddreg [dreg:$0xa]  }
0x5b: {  	s5 =	sadd.s32 s9, s5  }
0x5c: {  	s5 =	sshrl.u32 s5, $0x3  }
0x5d: {  	s5 =	sadd.s32 s13, s5  }
0x5e: {  	[tilespmem:s30], [sflag:$0x2] =	stream.linear.gather [hbm4b:s5+s1], $0x28, $0x38;
	[tilespmem:$0x1BFD0] =	vst v63  }
0x5f: {  	s8 =	sadd.s32 s9, s8;
	s5 =	sadd.s32 $0x9C40, s5  }
0x60: {  	[tilespmem:s31], [sflag:$0x2] =	stream.linear.gather [hbm4b:s5+s1], $0x28, $0x38;
	[tilespmem:$0x1BFD0] =	vst v63  }
0x61: {  	s5 =	sshrl.u32 s8, $0x3  }
0x62: {  	s5 =	sadd.s32 s25, s5  }
0x63: {  	[tilespmem:s0], [sflag:$0x2] =	stream.linear.gather [hbm4b:s5+s1], $0x28, $0x38;
	[tilespmem:$0x1BFD0] =	vst v63  }
0x64: {  	_ =	swait.ge [sflag:s2], $0x28  }
0x65: {  	[sflag:s2] =	ssyncset.done $0x0  }
0x66: {  	[sflag:s2] =	ssyncadd.s32 $0xFFFFFFD8  }
0x67: {  	_ =	swait.ge [sflag:s2], $0x28  }
0x68: {  	[sflag:s2] =	ssyncset.done $0x0  }
0x69: {  	[sflag:s2] =	ssyncadd.s32 $0xFFFFFFD8  }
0x6a: {  	_ =	swait.ge [sflag:s2], $0x28  }
0x6b: {  	s9 =	smul.u32 $0x2BF20, s24;
	[sflag:s2] =	ssyncset.done $0x0  }
0x6c: {  	s25 =	smul.u32 $0x4E20, s24;
	s13 =	rddreg [dreg:$0x4];
	[sflag:s2] =	ssyncadd.s32 $0xFFFFFFD8  }
0x6d: {  	s5 =	sadd.s32 s13, s9;
	s9 =	simm.s32 $0xA0;
	s13 =	rddreg [dreg:$0x5]  }
0x6e: {  	[tilespmem:s9], [sflag:$0x3] =	stream.linear.gather [hbm4b:s5+s1], $0x1680, $0x38;
	[tilespmem:$0x1BFD0] =	vst v63  }
0x6f: {  	s7 =	sadd.s32 s13, s25;
	s25 =	simm.s32 $0x1720  }
0x70: {  	[tilespmem:s25], [sflag:$0x5] =	stream.linear.gather [hbm4b:s7+s1], $0x280, $0x38;
	[tilespmem:$0x1BFD0] =	vst v63  }
0x71: {  	[bflag:$0x0] =	sbarrier.arrive $0xFFFF  }
.LBB2_3:
0x72: {  	_ =	swait.ge [sflag:s17], $0x28  }
0x73: {  	[sflag:s17] =	ssyncset.done $0x0  }
0x74: {  	[sflag:s17] =	ssyncadd.s32 $0xFFFFFFD8  }
0x75: {  	_ =	swait.ge [sflag:s17], $0x28  }
0x76: {  	[sflag:s17] =	ssyncset.done $0x0  }
0x77: {  	[sflag:s17] =	ssyncadd.s32 $0xFFFFFFD8  }
0x78: {  	_ =	swait.ge [sflag:s17], $0x28  }
0x79: {  	[sflag:s17] =	ssyncset.done $0x0  }
0x7a: {  	[sflag:s17] =	ssyncadd.s32 $0xFFFFFFD8  }
0x7b: {  	[tilespmem:s18], [sflag:$0x4] =	stream.linear.gather [hbm4b:s5+s4], $0x1680, $0x38;
	[tilespmem:$0x1BFD0] =	vst v63  }
0x7c: {  	_ = 	snop  }
0x7d: {  	[tilespmem:s19], [sflag:$0x6] =	stream.linear.gather [hbm4b:s7+s4], $0x280, $0x38;
	[tilespmem:$0x1BFD0] =	vst v63  }
0x7e: {  	_ =	swait.ge [sflag:s20], $0x1680  }
0x7f: {  	[sflag:s20] =	ssyncset.done $0x0  }
0x80: {  	[sflag:s20] =	ssyncadd.s32 $0xFFFFE980  }
0x81: {  	_ =	swait.ge [sflag:s21], $0x280  }
0x82: {  	p0 =	seq.s32 s1, $0x0;
	[sflag:s21] =	ssyncset.done $0x0  }
0x83: {  	s8 =	simm.s32 @!p0 $0x7;
	[sflag:s21] =	ssyncadd.s32 $0xFFFFFD80  }
0x84: {  	_ =	swait.ge @!p0 [sflag:s8], $0x1680  }
0x85: {  	[sflag:s8] =	ssyncset.done @!p0 $0x0  }
0x86: {  	[sflag:s8] =	ssyncadd.s32 @!p0 $0xFFFFE980  }
0x87: {  	v0 =	vld [tilespmem:$0x0]  }
0x88: {  	v1 =	vld [tilespmem:$0x10]  }
0x89: {  	v2 =	vld [tilespmem:$0x18];
	_ =	sdelay $0x2  }
0x8a: {  	[tilespmem:$0x78] =	vst v0  }
0x8b: {  	[tilespmem:$0x88] =	vst v1  }
0x8c: {  	p1 =	seq.s32 s1, $0x4D8;
	[tilespmem:$0x90] =	vst v2  }
0x8d: {  	[spmem:s3] =	stream.linear.scatter [tilespmem:s28], [sflag:$0x7], $0x1680, $0x38;
	[tilespmem:$0x1BFD0] =	vst v63  }
0x8e: {  	s13 =	simm.s32 @!p1 $0x0;
	s8 =	sadd.s32 @!p1 s1, s10  }
0x8f: {  	[tilespmem:s13], [sflag:$0x1] =	stream.linear.gather @!p1 [hbm4b:s8+s13], $0x28, $0x38;
	[tilespmem:$0x1BFD0] =	vst v63  }
0x90: {  	s25 =	simm.s32 @!p1 $0x28;
	s8 =	sadd.s32 @!p1 s1, s6  }
0x91: {  	[tilespmem:s25], [sflag:$0x1] =	stream.linear.gather @!p1 [hbm4b:s8+s13], $0x28, $0x38;
	[tilespmem:$0x1BFD0] =	vst v63  }
0x92: {  	s8 =	sadd.s32 @!p1 s1, s11;
	s25 =	simm.s32 @!p1 $0x50  }
0x93: {  	[tilespmem:s25], [sflag:$0x1] =	stream.linear.gather @!p1 [hbm4b:s8+s13], $0x28, $0x38;
	[tilespmem:$0x1BFD0] =	vst v63  }
0x94: {  	s8 =	simm.s32 @!p1 $0x1  }
0x95: {  	_ =	swait.ge @!p1 [sflag:s8], $0x28  }
0x96: {  	[sflag:s8] =	ssyncset.done @!p1 $0x0  }
0x97: {  	[sflag:s8] =	ssyncadd.s32 @!p1 $0xFFFFFFD8  }
0x98: {  	_ =	swait.ge @!p1 [sflag:s8], $0x28  }
0x99: {  	[sflag:s8] =	ssyncset.done @!p1 $0x0  }
0x9a: {  	[sflag:s8] =	ssyncadd.s32 @!p1 $0xFFFFFFD8  }
0x9b: {  	_ =	swait.ge @!p1 [sflag:s8], $0x28  }
0x9c: {  	[sflag:s8] =	ssyncset.done @!p1 $0x0  }
0x9d: {  	[sflag:s8] =	ssyncadd.s32 @!p1 $0xFFFFFFD8;
	s8 =	simm.s32 @!p1 $0xA0  }
0x9e: {  	[tilespmem:s8], [sflag:$0x3] =	stream.linear.gather @!p1 [hbm4b:s5+s13], $0x1680, $0x38;
	[tilespmem:$0x1BFD0] =	vst v63  }
0x9f: {  	s8 =	simm.s32 @!p1 $0x1720  }
0xa0: {  	[tilespmem:s8], [sflag:$0x5] =	stream.linear.gather @!p1 [hbm4b:s7+s13], $0x280, $0x38;
	[tilespmem:$0x1BFD0] =	vst v63  }
0xa1: {  	_ =	swait.ge [sflag:s29], $0x1680  }
0xa2: {  	[sflag:s29] =	ssyncset.done $0x0  }
0xa3: {  	[sflag:s29] =	ssyncadd.s32 $0xFFFFE980  }
0xa4: {  	_ =	swait.ge [sflag:s15], $0x280  }
0xa5: {  	[sflag:s15] =	ssyncset.done $0x0  }
0xa6: {  	s8 =	simm.s32 @!p0 $0x8;
	[sflag:s15] =	ssyncadd.s32 $0xFFFFFD80  }
0xa7: {  	_ =	swait.ge @!p0 [sflag:s8], $0x1680  }
0xa8: {  	[sflag:s8] =	ssyncset.done @!p0 $0x0  }
0xa9: {  	[sflag:s8] =	ssyncadd.s32 @!p0 $0xFFFFE980  }
0xaa: {  	v61 =	vld [tilespmem:$0x3020]  }
0xab: {  	v62 =	vld [tilespmem:$0x3030]  }
0xac: {  	v63 =	vld [tilespmem:$0x3038];
	_ =	sdelay $0x1  }
.Ltmp4:
0xad: {  	_ = 	snop;
	(pc) =	sbr.rel @p1 .LBB2_5-.Ltmp4, $4  }
0xae: {  	[tilespmem:$0x3098] =	vst v61  }
0xaf: {  	[tilespmem:$0x30A8] =	vst v62  }
0xb0: {  	[tilespmem:$0x30B0] =	vst v63  }
0xb1: {  	[spmem:s3] =	stream.linear.scatter [tilespmem:s16], [sflag:$0x8], $0x1680, $0x38;
	[tilespmem:$0x1BFD0] =	vst v63  }
0xb2: {  	s8 =	sadd.s32 s1, s22  }
0xb3: {  	[tilespmem:s30], [sflag:$0x2] =	stream.linear.gather [hbm4b:s8+s4], $0x28, $0x38;
	[tilespmem:$0x1BFD0] =	vst v63  }
.Ltmp5:
0xb4: {  	_ = 	snop;
	(pc) =	sbr.rel .LBB2_3-.Ltmp5, $4  }
0xb5: {  	s13 =	sadd.s32 s1, s14  }
0xb6: {  	[tilespmem:s31], [sflag:$0x2] =	stream.linear.gather [hbm4b:s13+s4], $0x28, $0x38;
	[tilespmem:$0x1BFD0] =	vst v63  }
0xb7: {  	s25 =	sadd.s32 s1, s23;
	s1 =	sadd.s32 $0xA, s1  }
0xb8: {  	[tilespmem:s0], [sflag:$0x2] =	stream.linear.gather [hbm4b:s25+s4], $0x28, $0x38;
	[tilespmem:$0x1BFD0] =	vst v63  }
.LBB2_7:
0xb9: {  	_ =	sfence.sel $0x180000  }
0xba: {  	[bflag:$0x0] =	sbarrier.arrive $0xFFFF  }
0xbb: {  	_ =	strace $0x90000047  }
0xbc: {  	s0 =	stileid.u32;
	[bflag:$0x2] =	sbarrier.arrive $0xFFFF  }
0xbd: {  	p0 =	sne.s32 s0, $0x0;
	s0 =	rddreg [dreg:$0x3]  }
0xbe: {  	s0 =	sadd.s32 @!p0 $0x100000, s0  }
0xbf: {  	[sflag:s0] =	ssyncadd.tile.s32 @!p0 $0x1;
	_ =	shalt  }
.Lfunc_end2:
_tile_overlayer_lowered:
.L_overlay_start_2:
0xc0: {  	(tag) =	ssettag $0x2  }
0xc1: {  	s0 =	rddreg [dreg:$0x0];
	s2 =	stileid.u32  }
0xc2: {  	s1 =	rddreg [dreg:$0x1];
	p0 =	sne.s32 s2, $0x0  }
0xc3: {  	s3 =	rddreg [dreg:$0x2];
	[bflag:$0x3] =	sbarrier.arrive $0xFFFF;
	s2 =	simm.s32 @!p0 $0x1C09  }
0xc4: {  	[timem:s3], [sflag:s2] =	dma.local @!p0 [hbm:s0], s1  }
0xc5: {  	s0 =	simm.s32 @!p0 $0x9  }
0xc6: {  	_ =	swait.ge @!p0 [sflag:s0], s1  }
0xc7: {  	s1 =	ssub.s32 @!p0 $0x0, s1;
	[sflag:s0] =	ssyncset.done @!p0 $0x0  }
0xc8: {  	[sflag:s0] =	ssyncadd.s32 @!p0 s1  }
0xc9: {  	[bflag:$0x3] =	sbarrier.arrive $0xFFFF  }
0xca: {  	_ =	shalt  }

</sc_bundles>
